<compile_context>
chip_gen: v7x
topology: tpu7x:2x2x1
jax: 0.10.2.dev20260603
libtpu: 0.0.44.dev20260713+nightly
codegen_flags: <defaults>
</compile_context>

<pallas_src>
import functools

import jax
import jax.numpy as jnp
from jax import lax
from jax.experimental import pallas as pl
from jax.experimental.pallas import tpu as pltpu
from jax.experimental.pallas import tpu_sc as plsc

_NC = 2
_NS = 16
_NW = _NC * _NS



def _tc1_body(x_ref, wl_ref, y_ref):
    n = x_ref.shape[0]
    y = lax.dot_general(x_ref[...], wl_ref[...], (((1,), (1,)), ((), ())),
                        preferred_element_type=jnp.float32)
    ones = (lax.broadcasted_iota(jnp.int32, (n, 16), 1) == 0).astype(jnp.float32)
    y_ref[...] = jnp.concatenate([y, ones], axis=1)


def _tc2_body(acc_ref, x_ref, wr_ref, b_ref, h_ref):
    n = x_ref.shape[0]
    a = acc_ref[0, :n] + acc_ref[1, :n]
    dh = a.shape[1] - 16
    mean = a[:, :dh] / jnp.maximum(a[:, dh:dh + 1], 1.0)
    pre = mean + b_ref[...] + lax.dot_general(
        x_ref[...], wr_ref[...], (((1,), (1,)), ((), ())),
        preferred_element_type=jnp.float32)
    h_ref[...] = jnp.where(pre >= 0, pre, 0.01 * pre)


def _tc3_body(acc2_ref, acc1_ref, h_ref, wl_ref, wr_ref, b_ref, out_ref):
    n = h_ref.shape[0]
    a1 = acc1_ref[0, :n] + acc1_ref[1, :n]
    dh = a1.shape[1] - 16
    deg = jnp.maximum(a1[:, dh:dh + 1], 1.0)
    mean2 = (acc2_ref[0, :n] + acc2_ref[1, :n]) / deg
    z = (lax.dot_general(mean2, wl_ref[...], (((1,), (1,)), ((), ())),
                         preferred_element_type=jnp.float32)
         + b_ref[...]
         + lax.dot_general(h_ref[...], wr_ref[...], (((1,), (1,)), ((), ())),
                           preferred_element_type=jnp.float32))
    nrm = jnp.sqrt(jnp.sum(z * z, axis=1, keepdims=True))
    out_ref[...] = z / jnp.maximum(nrm, 1e-12)



@functools.lru_cache(maxsize=None)
def _make_segsum(n_nodes, width, n_chunks, blk):
    mesh = plsc.VectorSubcoreMesh(core_axis_name="c", subcore_axis_name="s")
    n_pad = -(-n_nodes // (_NS * 128)) * (_NS * 128)
    rows_sub = n_pad // _NS
    full = rows_sub // 128
    wpr = width // 16

    @functools.partial(
        pl.kernel,
        mesh=mesh,
        out_type=jax.ShapeDtypeStruct((_NC, n_pad, width), jnp.float32),
        scratch_types=[
            pltpu.VMEM((n_chunks, blk), jnp.int32),
            pltpu.VMEM((n_chunks, blk), jnp.int32),
            pltpu.VMEM((blk, width), jnp.float32),
            pltpu.VMEM((128, width), jnp.float32),
            pltpu.VMEM_SHARED((n_pad, width), jnp.float32),
            pltpu.SemaphoreType.DMA,
        ],
        compiler_params=pltpu.CompilerParams(use_tc_tiling_on_sc=False),
    )
    def seg(y_hbm, src_hbm, dst_hbm, out_hbm, src_v, dst_v, rows_v, zbuf, acc_sh, sem):
        c = lax.axis_index("c")
        s = lax.axis_index("s")
        wid = c * _NS + s
        base = s * rows_sub

        zvec = jnp.zeros((16,), jnp.float32)

        def _z(i, carry):
            zbuf[i // wpr, pl.ds((i % wpr) * 16, 16)] = zvec
            return carry

        lax.fori_loop(0, 128 * wpr, _z, 0)
        for j in range(full):
            pltpu.sync_copy(zbuf, acc_sh.at[pl.ds(base + j * 128, 128)])
        plsc.subcore_barrier()

        pltpu.sync_copy(src_hbm.at[wid], src_v)
        pltpu.sync_copy(dst_hbm.at[wid], dst_v)

        def _edge(j, carry):
            pltpu.async_copy(y_hbm.at[src_v.at[j]], rows_v, sem).wait()
            pltpu.sync_copy(rows_v, acc_sh.at[dst_v.at[j]], add=True)
            return carry

        lax.fori_loop(0, n_chunks, _edge, 0)
        plsc.subcore_barrier()

        for j in range(full):
            pltpu.sync_copy(acc_sh.at[pl.ds(base + j * 128, 128)], zbuf)
            pltpu.sync_copy(zbuf, out_hbm.at[c, pl.ds(base + j * 128, 128)])

    return seg


def kernel(x, edge_indices, Wl1, Wr1, b1, Wl2, Wr2, b2):
    n, _ = x.shape
    e = edge_indices.shape[1]
    d_hid = Wl1.shape[0]
    d_out = Wl2.shape[0]
    per_tile = e // _NW
    blk = 80
    n_chunks = per_tile // blk
    w1 = d_hid + 16

    src = edge_indices[0].reshape(_NW, n_chunks, blk)
    dst = edge_indices[1].reshape(_NW, n_chunks, blk)

    y1 = pl.pallas_call(
        _tc1_body, out_shape=jax.ShapeDtypeStruct((n, w1), jnp.float32))(x, Wl1)
    acc1 = _make_segsum(n, w1, n_chunks, blk)(y1, src, dst)
    h = pl.pallas_call(
        _tc2_body, out_shape=jax.ShapeDtypeStruct((n, d_hid), jnp.float32))(
            acc1, x, Wr1, b1.reshape(1, -1))
    acc2 = _make_segsum(n, d_hid, n_chunks, blk)(h, src, dst)
    out = pl.pallas_call(
        _tc3_body, out_shape=jax.ShapeDtypeStruct((n, d_out), jnp.float32))(
            acc2, acc1, h, Wl2, Wr2, b2.reshape(1, -1))
    return out

# --- scband reference (transcript-rebuilt; emitter-appended) ---
"""Pipeline reference for scband-graph-conv-67353677136469 (READ-ONLY COPY).

The authoritative reference and input builder live on the scoring server;
editing this copy changes nothing except your own understanding.
"""

import jax, jax.numpy as jnp
import numpy as np

N = 10000
E = 320000
D_IN = 128
D_HID = 64
D_OUT = 128


def setup_inputs(seed: int = 0) -> dict:
    key = jax.random.key(seed)
    ks = jax.random.split(key, 9)
    x = jax.random.normal(ks[0], (N, D_IN), dtype=jnp.float32)
    edge_indices = jax.random.randint(ks[1], (2, E), 0, N, dtype=jnp.int32)
    # SAGEConv layer 1 params: lin_l (aggregated neighbors, with bias), lin_r (root)
    Wl1 = jax.random.normal(ks[2], (D_HID, D_IN), dtype=jnp.float32) * (1.0 / np.sqrt(D_IN))
    b1 = jnp.zeros((D_HID,), dtype=jnp.float32)
    Wr1 = jax.random.normal(ks[3], (D_HID, D_IN), dtype=jnp.float32) * (1.0 / np.sqrt(D_IN))
    # SAGEConv layer 2 params
    Wl2 = jax.random.normal(ks[4], (D_OUT, D_HID), dtype=jnp.float32) * (1.0 / np.sqrt(D_HID))
    b2 = jnp.zeros((D_OUT,), dtype=jnp.float32)
    Wr2 = jax.random.normal(ks[5], (D_OUT, D_HID), dtype=jnp.float32) * (1.0 / np.sqrt(D_HID))
    return {"x": x, "edge_indices": edge_indices, "Wl1": Wl1, "Wr1": Wr1, "b1": b1,
            "Wl2": Wl2, "Wr2": Wr2, "b2": b2}


def _sage_conv(x, edge_indices, Wl, Wr, b):
    # PyG SAGEConv with mean aggregation:
    # out = lin_l(mean_{j in N(i)} x_j) + lin_r(x_i)
    src = edge_indices[0]
    dst = edge_indices[1]
    msgs = jnp.take(x, src, axis=0)                                    # gather
    agg = jax.ops.segment_sum(msgs, dst, num_segments=N)               # scatter-add
    deg = jax.ops.segment_sum(jnp.ones((edge_indices.shape[1],), dtype=x.dtype), dst, num_segments=N)
    mean = agg / jnp.clip(deg, 1.0)[:, None]
    return mean @ Wl.T + b + x @ Wr.T


def reference(x, edge_indices, Wl1, Wr1, b1, Wl2, Wr2, b2):
    h = _sage_conv(x, edge_indices, Wl1, Wr1, b1)
    h = jax.nn.leaky_relu(h, negative_slope=0.01)
    # F.dropout treated as identity (eval mode) for a deterministic reference
    h = _sage_conv(h, edge_indices, Wl2, Wr2, b2)
    # F.normalize: L2 normalize along dim=1, eps=1e-12
    norm = jnp.clip(jnp.linalg.norm(h, axis=1, keepdims=True), 1e-12)
    return h / norm

if __name__ == "__main__":
    import jax
    _d = setup_inputs()
    print(jax.jit(kernel)(*tuple(_d.values())))

</pallas_src>

<mosaic_0001>
#map = affine_map<(d0, d1) -> (0, 0)>
#map1 = affine_map<(d0, d1) -> (0, 0, 0)>
module attributes {stable_mosaic.version = 14 : i64} {
  func.func @seg(%arg0: i32, %arg1: i32, %arg2: memref<10000x80xf32, #tpu.memory_space<hbm>>, %arg3: memref<32x125x80xi32, #tpu.memory_space<hbm>>, %arg4: memref<32x125x80xi32, #tpu.memory_space<hbm>>, %arg5: memref<2x10240x80xf32, #tpu.memory_space<hbm>>, %arg6: memref<125x80xi32, #tpu.memory_space<vmem>>, %arg7: memref<125x80xi32, #tpu.memory_space<vmem>>, %arg8: memref<80x80xf32, #tpu.memory_space<vmem>>, %arg9: memref<128x80xf32, #tpu.memory_space<vmem>>, %arg10: memref<10240x80xf32, #tpu.memory_space<vmem_shared>>, %arg11: memref<!tpu.dma_semaphore, #tpu.memory_space<semaphore_mem>>) attributes {dimension_semantics = [#tpu.dimension_semantics<core_parallel>, #tpu.dimension_semantics<subcore_parallel>], iteration_bounds = array<i64: 2, 16>, scalar_prefetch = 0 : i64, scratch_operands = 6 : i64, tpu.core_type = #tpu.core_type<sc_vector_subcore>, window_params = [{transform_indices = #map}, {transform_indices = #map1}, {transform_indices = #map1}, {transform_indices = #map1}]} {
    %mul3A = arith.constant 16 : i32
    %mul3A_0 = arith.muli %arg0, %mul3A : i32
    %add3A = arith.addi %mul3A_0, %arg1 : i32
    %mul3A_1 = arith.constant 640 : i32
    %mul3A_2 = arith.muli %arg1, %mul3A_1 : i32
    %broadcast_in_dim3A = arith.constant 0.000000e+00 : f32
    %broadcast_in_dim3A_3 = vector.broadcast %broadcast_in_dim3A : f32 to vector<16xf32>
    %scan3A = arith.constant 0 : i32
    %scan3A_4 = arith.constant 0 : i32
    %scan3A_5 = arith.constant 640 : i32
    %scan3A_6 = arith.addi %scan3A_4, %scan3A_5 : i32
    %scan3A_7 = arith.constant 1 : i32
    scf.for %scan3A_46 = %scan3A_4 to %scan3A_6 step %scan3A_7  : i32 {
      %jit3A = arith.constant 5 : i32
      %div3A = arith.divsi %scan3A_46, %jit3A : i32
      %sign3A = arith.constant 0 : i32
      %sign3A_47 = arith.cmpi sgt, %scan3A_46, %sign3A : i32
      %sign3A_48 = arith.extui %sign3A_47 : i1 to i32
      %sign3A_49 = arith.constant 0 : i32
      %sign3A_50 = arith.cmpi slt, %scan3A_46, %sign3A_49 : i32
      %sign3A_51 = arith.extui %sign3A_50 : i1 to i32
      %sign3A_52 = arith.subi %sign3A_48, %sign3A_51 : i32
      %sign3A_53 = arith.constant 0 : i32
      %sign3A_54 = arith.cmpi sgt, %jit3A, %sign3A_53 : i32
      %sign3A_55 = arith.extui %sign3A_54 : i1 to i32
      %sign3A_56 = arith.constant 0 : i32
      %sign3A_57 = arith.cmpi slt, %jit3A, %sign3A_56 : i32
      %sign3A_58 = arith.extui %sign3A_57 : i1 to i32
      %sign3A_59 = arith.subi %sign3A_55, %sign3A_58 : i32
      %ne3A = arith.cmpi ne, %sign3A_52, %sign3A_59 : i32
      %rem3A = arith.remsi %scan3A_46, %jit3A : i32
      %ne3A_60 = arith.constant 0 : i32
      %ne3A_61 = arith.cmpi ne, %rem3A, %ne3A_60 : i32
      %and3A = arith.andi %ne3A, %ne3A_61 : i1
      %sub3A = arith.constant 1 : i32
      %sub3A_62 = arith.subi %div3A, %sub3A : i32
      %select_n3A = arith.select %and3A, %sub3A_62, %div3A : i32
      %jit3A_63 = arith.constant 5 : i32
      %eq3A = arith.constant 0 : i32
      %eq3A_64 = arith.cmpi eq, %jit3A_63, %eq3A : i32
      %jit3A_65 = arith.constant 1 : i32
      %select_n3A_66 = arith.select %eq3A_64, %jit3A_65, %jit3A_63 : i32
      %rem3A_67 = arith.remsi %scan3A_46, %select_n3A_66 : i32
      %ne3A_68 = arith.constant 0 : i32
      %ne3A_69 = arith.cmpi ne, %rem3A_67, %ne3A_68 : i32
      %lt3A = arith.constant 0 : i32
      %lt3A_70 = arith.cmpi slt, %rem3A_67, %lt3A : i32
      %lt3A_71 = arith.constant 0 : i32
      %lt3A_72 = arith.cmpi slt, %select_n3A_66, %lt3A_71 : i32
      %ne3A_73 = arith.xori %lt3A_70, %lt3A_72 : i1
      %and3A_74 = arith.andi %ne3A_73, %ne3A_69 : i1
      %add3A_75 = arith.addi %rem3A_67, %select_n3A_66 : i32
      %select_n3A_76 = arith.select %and3A_74, %add3A_75, %rem3A_67 : i32
      %mul3A_77 = arith.constant 16 : i32
      %mul3A_78 = arith.muli %select_n3A_76, %mul3A_77 : i32
      %swap3A = arith.index_cast %select_n3A : i32 to index
      %swap3A_79 = arith.index_cast %mul3A_78 : i32 to index
      %swap3A_80 = tpu.vector_load %arg9[%swap3A, %swap3A_79] {strides = array<i32>} : memref<128x80xf32, #tpu.memory_space<vmem>>, vector<1x16xf32>,
      %swap3A_81 = vector.shape_cast %swap3A_80 : vector<1x16xf32> to vector<16xf32>
      %swap3A_82 = vector.shape_cast %broadcast_in_dim3A_3 : vector<16xf32> to vector<1x16xf32>
      tpu.vector_store %arg9[%swap3A, %swap3A_79], %swap3A_82 {strides = array<i32>} : memref<128x80xf32, #tpu.memory_space<vmem>>, vector<1x16xf32>,
    }
    %scan3A_8 = arith.constant 640 : i32
    %add3A_9 = arith.constant 0 : i32
    %add3A_10 = arith.addi %mul3A_2, %add3A_9 : i32
    "tpu.region"() ({
      %run_scoped3A = tpu.sem_alloc : memref<!tpu.dma_semaphore, #tpu.memory_space<semaphore_mem>>
      %dma_start3A = arith.constant 0 : i32
      %dma_start3A_46 = tpu.memref_slice %arg10[%add3A_10, %dma_start3A] : memref<10240x80xf32, #tpu.memory_space<vmem_shared>> -> memref<128x80xf32, #tpu.memory_space<vmem_shared>>
      %dma_start3A_47 = arith.constant 0 : i32
      %dma_start3A_48 = tpu.memref_slice %arg10[%add3A_10, %dma_start3A_47] : memref<10240x80xf32, #tpu.memory_space<vmem_shared>> -> memref<128x80xf32, #tpu.memory_space<vmem_shared>>
      tpu.enqueue_dma source(%arg9 : memref<128x80xf32, #tpu.memory_space<vmem>>) target(%dma_start3A_48 : memref<128x80xf32, #tpu.memory_space<vmem_shared>>) target_semaphore(%run_scoped3A : memref<!tpu.dma_semaphore, #tpu.memory_space<semaphore_mem>>)
      %dma_wait3A = arith.constant 0 : i32
      %dma_wait3A_49 = tpu.memref_slice %arg10[%add3A_10, %dma_wait3A] : memref<10240x80xf32, #tpu.memory_space<vmem_shared>> -> memref<128x80xf32, #tpu.memory_space<vmem_shared>>
      %dma_wait3A_50 = arith.constant 0 : i32
      %dma_wait3A_51 = tpu.memref_slice %arg10[%add3A_10, %dma_wait3A_50] : memref<10240x80xf32, #tpu.memory_space<vmem_shared>> -> memref<128x80xf32, #tpu.memory_space<vmem_shared>>
      tpu.wait_dma2 semaphore(%run_scoped3A : memref<!tpu.dma_semaphore, #tpu.memory_space<semaphore_mem>>) src(%arg9 : memref<128x80xf32, #tpu.memory_space<vmem>>) dst(%dma_wait3A_51 : memref<128x80xf32, #tpu.memory_space<vmem_shared>>)
      tpu.yield
    }) : () -> ()
    %add3A_11 = arith.constant 128 : i32
    %add3A_12 = arith.addi %mul3A_2, %add3A_11 : i32
    "tpu.region"() ({
      %run_scoped3A = tpu.sem_alloc : memref<!tpu.dma_semaphore, #tpu.memory_space<semaphore_mem>>
      %dma_start3A = arith.constant 0 : i32
      %dma_start3A_46 = tpu.memref_slice %arg10[%add3A_12, %dma_start3A] : memref<10240x80xf32, #tpu.memory_space<vmem_shared>> -> memref<128x80xf32, #tpu.memory_space<vmem_shared>>
      %dma_start3A_47 = arith.constant 0 : i32
      %dma_start3A_48 = tpu.memref_slice %arg10[%add3A_12, %dma_start3A_47] : memref<10240x80xf32, #tpu.memory_space<vmem_shared>> -> memref<128x80xf32, #tpu.memory_space<vmem_shared>>
      tpu.enqueue_dma source(%arg9 : memref<128x80xf32, #tpu.memory_space<vmem>>) target(%dma_start3A_48 : memref<128x80xf32, #tpu.memory_space<vmem_shared>>) target_semaphore(%run_scoped3A : memref<!tpu.dma_semaphore, #tpu.memory_space<semaphore_mem>>)
      %dma_wait3A = arith.constant 0 : i32
      %dma_wait3A_49 = tpu.memref_slice %arg10[%add3A_12, %dma_wait3A] : memref<10240x80xf32, #tpu.memory_space<vmem_shared>> -> memref<128x80xf32, #tpu.memory_space<vmem_shared>>
      %dma_wait3A_50 = arith.constant 0 : i32
      %dma_wait3A_51 = tpu.memref_slice %arg10[%add3A_12, %dma_wait3A_50] : memref<10240x80xf32, #tpu.memory_space<vmem_shared>> -> memref<128x80xf32, #tpu.memory_space<vmem_shared>>
      tpu.wait_dma2 semaphore(%run_scoped3A : memref<!tpu.dma_semaphore, #tpu.memory_space<semaphore_mem>>) src(%arg9 : memref<128x80xf32, #tpu.memory_space<vmem>>) dst(%dma_wait3A_51 : memref<128x80xf32, #tpu.memory_space<vmem_shared>>)
      tpu.yield
    }) : () -> ()
    %add3A_13 = arith.constant 256 : i32
    %add3A_14 = arith.addi %mul3A_2, %add3A_13 : i32
    "tpu.region"() ({
      %run_scoped3A = tpu.sem_alloc : memref<!tpu.dma_semaphore, #tpu.memory_space<semaphore_mem>>
      %dma_start3A = arith.constant 0 : i32
      %dma_start3A_46 = tpu.memref_slice %arg10[%add3A_14, %dma_start3A] : memref<10240x80xf32, #tpu.memory_space<vmem_shared>> -> memref<128x80xf32, #tpu.memory_space<vmem_shared>>
      %dma_start3A_47 = arith.constant 0 : i32
      %dma_start3A_48 = tpu.memref_slice %arg10[%add3A_14, %dma_start3A_47] : memref<10240x80xf32, #tpu.memory_space<vmem_shared>> -> memref<128x80xf32, #tpu.memory_space<vmem_shared>>
      tpu.enqueue_dma source(%arg9 : memref<128x80xf32, #tpu.memory_space<vmem>>) target(%dma_start3A_48 : memref<128x80xf32, #tpu.memory_space<vmem_shared>>) target_semaphore(%run_scoped3A : memref<!tpu.dma_semaphore, #tpu.memory_space<semaphore_mem>>)
      %dma_wait3A = arith.constant 0 : i32
      %dma_wait3A_49 = tpu.memref_slice %arg10[%add3A_14, %dma_wait3A] : memref<10240x80xf32, #tpu.memory_space<vmem_shared>> -> memref<128x80xf32, #tpu.memory_space<vmem_shared>>
      %dma_wait3A_50 = arith.constant 0 : i32
      %dma_wait3A_51 = tpu.memref_slice %arg10[%add3A_14, %dma_wait3A_50] : memref<10240x80xf32, #tpu.memory_space<vmem_shared>> -> memref<128x80xf32, #tpu.memory_space<vmem_shared>>
      tpu.wait_dma2 semaphore(%run_scoped3A : memref<!tpu.dma_semaphore, #tpu.memory_space<semaphore_mem>>) src(%arg9 : memref<128x80xf32, #tpu.memory_space<vmem>>) dst(%dma_wait3A_51 : memref<128x80xf32, #tpu.memory_space<vmem_shared>>)
      tpu.yield
    }) : () -> ()
    %add3A_15 = arith.constant 384 : i32
    %add3A_16 = arith.addi %mul3A_2, %add3A_15 : i32
    "tpu.region"() ({
      %run_scoped3A = tpu.sem_alloc : memref<!tpu.dma_semaphore, #tpu.memory_space<semaphore_mem>>
      %dma_start3A = arith.constant 0 : i32
      %dma_start3A_46 = tpu.memref_slice %arg10[%add3A_16, %dma_start3A] : memref<10240x80xf32, #tpu.memory_space<vmem_shared>> -> memref<128x80xf32, #tpu.memory_space<vmem_shared>>
      %dma_start3A_47 = arith.constant 0 : i32
      %dma_start3A_48 = tpu.memref_slice %arg10[%add3A_16, %dma_start3A_47] : memref<10240x80xf32, #tpu.memory_space<vmem_shared>> -> memref<128x80xf32, #tpu.memory_space<vmem_shared>>
      tpu.enqueue_dma source(%arg9 : memref<128x80xf32, #tpu.memory_space<vmem>>) target(%dma_start3A_48 : memref<128x80xf32, #tpu.memory_space<vmem_shared>>) target_semaphore(%run_scoped3A : memref<!tpu.dma_semaphore, #tpu.memory_space<semaphore_mem>>)
      %dma_wait3A = arith.constant 0 : i32
      %dma_wait3A_49 = tpu.memref_slice %arg10[%add3A_16, %dma_wait3A] : memref<10240x80xf32, #tpu.memory_space<vmem_shared>> -> memref<128x80xf32, #tpu.memory_space<vmem_shared>>
      %dma_wait3A_50 = arith.constant 0 : i32
      %dma_wait3A_51 = tpu.memref_slice %arg10[%add3A_16, %dma_wait3A_50] : memref<10240x80xf32, #tpu.memory_space<vmem_shared>> -> memref<128x80xf32, #tpu.memory_space<vmem_shared>>
      tpu.wait_dma2 semaphore(%run_scoped3A : memref<!tpu.dma_semaphore, #tpu.memory_space<semaphore_mem>>) src(%arg9 : memref<128x80xf32, #tpu.memory_space<vmem>>) dst(%dma_wait3A_51 : memref<128x80xf32, #tpu.memory_space<vmem_shared>>)
      tpu.yield
    }) : () -> ()
    %add3A_17 = arith.constant 512 : i32
    %add3A_18 = arith.addi %mul3A_2, %add3A_17 : i32
    "tpu.region"() ({
      %run_scoped3A = tpu.sem_alloc : memref<!tpu.dma_semaphore, #tpu.memory_space<semaphore_mem>>
      %dma_start3A = arith.constant 0 : i32
      %dma_start3A_46 = tpu.memref_slice %arg10[%add3A_18, %dma_start3A] : memref<10240x80xf32, #tpu.memory_space<vmem_shared>> -> memref<128x80xf32, #tpu.memory_space<vmem_shared>>
      %dma_start3A_47 = arith.constant 0 : i32
      %dma_start3A_48 = tpu.memref_slice %arg10[%add3A_18, %dma_start3A_47] : memref<10240x80xf32, #tpu.memory_space<vmem_shared>> -> memref<128x80xf32, #tpu.memory_space<vmem_shared>>
      tpu.enqueue_dma source(%arg9 : memref<128x80xf32, #tpu.memory_space<vmem>>) target(%dma_start3A_48 : memref<128x80xf32, #tpu.memory_space<vmem_shared>>) target_semaphore(%run_scoped3A : memref<!tpu.dma_semaphore, #tpu.memory_space<semaphore_mem>>)
      %dma_wait3A = arith.constant 0 : i32
      %dma_wait3A_49 = tpu.memref_slice %arg10[%add3A_18, %dma_wait3A] : memref<10240x80xf32, #tpu.memory_space<vmem_shared>> -> memref<128x80xf32, #tpu.memory_space<vmem_shared>>
      %dma_wait3A_50 = arith.constant 0 : i32
      %dma_wait3A_51 = tpu.memref_slice %arg10[%add3A_18, %dma_wait3A_50] : memref<10240x80xf32, #tpu.memory_space<vmem_shared>> -> memref<128x80xf32, #tpu.memory_space<vmem_shared>>
      tpu.wait_dma2 semaphore(%run_scoped3A : memref<!tpu.dma_semaphore, #tpu.memory_space<semaphore_mem>>) src(%arg9 : memref<128x80xf32, #tpu.memory_space<vmem>>) dst(%dma_wait3A_51 : memref<128x80xf32, #tpu.memory_space<vmem_shared>>)
      tpu.yield
    }) : () -> ()
    %barrier3A = arith.constant 0 : index
    tpu.barrier barrier_id(%barrier3A)
    "tpu.region"() ({
      %run_scoped3A = tpu.sem_alloc : memref<!tpu.dma_semaphore, #tpu.memory_space<semaphore_mem>>
      %dma_start3A = arith.constant 0 : i32
      %dma_start3A_46 = arith.constant 0 : i32
      %dma_start3A_47 = tpu.memref_slice %arg3[%add3A, %dma_start3A, %dma_start3A_46] : memref<32x125x80xi32, #tpu.memory_space<hbm>> -> memref<1x125x80xi32, #tpu.memory_space<hbm>>
      %dma_start3A_48 = tpu.memref_squeeze %dma_start3A_47 : memref<1x125x80xi32, #tpu.memory_space<hbm>> -> memref<125x80xi32, #tpu.memory_space<hbm>>
      %dma_start3A_49 = arith.constant 0 : i32
      %dma_start3A_50 = arith.constant 0 : i32
      %dma_start3A_51 = tpu.memref_slice %arg3[%add3A, %dma_start3A_49, %dma_start3A_50] : memref<32x125x80xi32, #tpu.memory_space<hbm>> -> memref<1x125x80xi32, #tpu.memory_space<hbm>>
      %dma_start3A_52 = tpu.memref_squeeze %dma_start3A_51 : memref<1x125x80xi32, #tpu.memory_space<hbm>> -> memref<125x80xi32, #tpu.memory_space<hbm>>
      tpu.enqueue_dma source(%dma_start3A_52 : memref<125x80xi32, #tpu.memory_space<hbm>>) target(%arg6 : memref<125x80xi32, #tpu.memory_space<vmem>>) target_semaphore(%run_scoped3A : memref<!tpu.dma_semaphore, #tpu.memory_space<semaphore_mem>>)
      %dma_wait3A = arith.constant 0 : i32
      %dma_wait3A_53 = arith.constant 0 : i32
      %dma_wait3A_54 = tpu.memref_slice %arg3[%add3A, %dma_wait3A, %dma_wait3A_53] : memref<32x125x80xi32, #tpu.memory_space<hbm>> -> memref<1x125x80xi32, #tpu.memory_space<hbm>>
      %dma_wait3A_55 = tpu.memref_squeeze %dma_wait3A_54 : memref<1x125x80xi32, #tpu.memory_space<hbm>> -> memref<125x80xi32, #tpu.memory_space<hbm>>
      %dma_wait3A_56 = arith.constant 0 : i32
      %dma_wait3A_57 = arith.constant 0 : i32
      %dma_wait3A_58 = tpu.memref_slice %arg3[%add3A, %dma_wait3A_56, %dma_wait3A_57] : memref<32x125x80xi32, #tpu.memory_space<hbm>> -> memref<1x125x80xi32, #tpu.memory_space<hbm>>
      %dma_wait3A_59 = tpu.memref_squeeze %dma_wait3A_58 : memref<1x125x80xi32, #tpu.memory_space<hbm>> -> memref<125x80xi32, #tpu.memory_space<hbm>>
      tpu.wait_dma2 semaphore(%run_scoped3A : memref<!tpu.dma_semaphore, #tpu.memory_space<semaphore_mem>>) src(%dma_wait3A_59 : memref<125x80xi32, #tpu.memory_space<hbm>>) dst(%arg6 : memref<125x80xi32, #tpu.memory_space<vmem>>)
      tpu.yield
    }) : () -> ()
    "tpu.region"() ({
      %run_scoped3A = tpu.sem_alloc : memref<!tpu.dma_semaphore, #tpu.memory_space<semaphore_mem>>
      %dma_start3A = arith.constant 0 : i32
      %dma_start3A_46 = arith.constant 0 : i32
      %dma_start3A_47 = tpu.memref_slice %arg4[%add3A, %dma_start3A, %dma_start3A_46] : memref<32x125x80xi32, #tpu.memory_space<hbm>> -> memref<1x125x80xi32, #tpu.memory_space<hbm>>
      %dma_start3A_48 = tpu.memref_squeeze %dma_start3A_47 : memref<1x125x80xi32, #tpu.memory_space<hbm>> -> memref<125x80xi32, #tpu.memory_space<hbm>>
      %dma_start3A_49 = arith.constant 0 : i32
      %dma_start3A_50 = arith.constant 0 : i32
      %dma_start3A_51 = tpu.memref_slice %arg4[%add3A, %dma_start3A_49, %dma_start3A_50] : memref<32x125x80xi32, #tpu.memory_space<hbm>> -> memref<1x125x80xi32, #tpu.memory_space<hbm>>
      %dma_start3A_52 = tpu.memref_squeeze %dma_start3A_51 : memref<1x125x80xi32, #tpu.memory_space<hbm>> -> memref<125x80xi32, #tpu.memory_space<hbm>>
      tpu.enqueue_dma source(%dma_start3A_52 : memref<125x80xi32, #tpu.memory_space<hbm>>) target(%arg7 : memref<125x80xi32, #tpu.memory_space<vmem>>) target_semaphore(%run_scoped3A : memref<!tpu.dma_semaphore, #tpu.memory_space<semaphore_mem>>)
      %dma_wait3A = arith.constant 0 : i32
      %dma_wait3A_53 = arith.constant 0 : i32
      %dma_wait3A_54 = tpu.memref_slice %arg4[%add3A, %dma_wait3A, %dma_wait3A_53] : memref<32x125x80xi32, #tpu.memory_space<hbm>> -> memref<1x125x80xi32, #tpu.memory_space<hbm>>
      %dma_wait3A_55 = tpu.memref_squeeze %dma_wait3A_54 : memref<1x125x80xi32, #tpu.memory_space<hbm>> -> memref<125x80xi32, #tpu.memory_space<hbm>>
      %dma_wait3A_56 = arith.constant 0 : i32
      %dma_wait3A_57 = arith.constant 0 : i32
      %dma_wait3A_58 = tpu.memref_slice %arg4[%add3A, %dma_wait3A_56, %dma_wait3A_57] : memref<32x125x80xi32, #tpu.memory_space<hbm>> -> memref<1x125x80xi32, #tpu.memory_space<hbm>>
      %dma_wait3A_59 = tpu.memref_squeeze %dma_wait3A_58 : memref<1x125x80xi32, #tpu.memory_space<hbm>> -> memref<125x80xi32, #tpu.memory_space<hbm>>
      tpu.wait_dma2 semaphore(%run_scoped3A : memref<!tpu.dma_semaphore, #tpu.memory_space<semaphore_mem>>) src(%dma_wait3A_59 : memref<125x80xi32, #tpu.memory_space<hbm>>) dst(%arg7 : memref<125x80xi32, #tpu.memory_space<vmem>>)
      tpu.yield
    }) : () -> ()
    %scan3A_19 = arith.constant 0 : i32
    %scan3A_20 = arith.constant 0 : i32
    %scan3A_21 = arith.constant 125 : i32
    %scan3A_22 = arith.addi %scan3A_20, %scan3A_21 : i32
    %scan3A_23 = arith.constant 1 : i32
    scf.for %scan3A_46 = %scan3A_20 to %scan3A_22 step %scan3A_23  : i32 {
      %dma_start3A = arith.constant 0 : i32
      %dma_start3A_47 = tpu.memref_slice %arg6[%scan3A_46, %dma_start3A] : memref<125x80xi32, #tpu.memory_space<vmem>> -> memref<1x80xi32, #tpu.memory_space<vmem>>
      %dma_start3A_48 = tpu.memref_squeeze %dma_start3A_47 : memref<1x80xi32, #tpu.memory_space<vmem>> -> memref<80xi32, #tpu.memory_space<vmem>>
      %dma_start3A_49 = arith.constant 0 : i32
      %dma_start3A_50 = arith.constant 0 : i32
      %dma_start3A_51 = tpu.memref_slice %arg2[%dma_start3A_49, %dma_start3A_50] : memref<10000x80xf32, #tpu.memory_space<hbm>> -> memref<10000x80xf32, #tpu.memory_space<hbm>>
      tpu.enqueue_indirect_dma source(%dma_start3A_51 : memref<10000x80xf32, #tpu.memory_space<hbm>>) target(%arg8 : memref<80x80xf32, #tpu.memory_space<vmem>>) offsets(%dma_start3A_48 : memref<80xi32, #tpu.memory_space<vmem>>) semaphore(%arg11 : memref<!tpu.dma_semaphore, #tpu.memory_space<semaphore_mem>>)
      %dma_wait3A = arith.constant 0 : i32
      %dma_wait3A_52 = tpu.memref_slice %arg6[%scan3A_46, %dma_wait3A] : memref<125x80xi32, #tpu.memory_space<vmem>> -> memref<1x80xi32, #tpu.memory_space<vmem>>
      %dma_wait3A_53 = tpu.memref_squeeze %dma_wait3A_52 : memref<1x80xi32, #tpu.memory_space<vmem>> -> memref<80xi32, #tpu.memory_space<vmem>>
      %dma_wait3A_54 = arith.constant 0 : i32
      %dma_wait3A_55 = arith.constant 0 : i32
      %dma_wait3A_56 = tpu.memref_slice %arg2[%dma_wait3A_54, %dma_wait3A_55] : memref<10000x80xf32, #tpu.memory_space<hbm>> -> memref<10000x80xf32, #tpu.memory_space<hbm>>
      tpu.wait_indirect_dma semaphore(%arg11 : memref<!tpu.dma_semaphore, #tpu.memory_space<semaphore_mem>>) src(%dma_wait3A_56 : memref<10000x80xf32, #tpu.memory_space<hbm>>) dst(%arg8 : memref<80x80xf32, #tpu.memory_space<vmem>>)
      "tpu.region"() ({
        %run_scoped3A = tpu.sem_alloc : memref<!tpu.dma_semaphore, #tpu.memory_space<semaphore_mem>>
        %dma_start3A_57 = arith.constant 0 : i32
        %dma_start3A_58 = tpu.memref_slice %arg7[%scan3A_46, %dma_start3A_57] : memref<125x80xi32, #tpu.memory_space<vmem>> -> memref<1x80xi32, #tpu.memory_space<vmem>>
        %dma_start3A_59 = tpu.memref_squeeze %dma_start3A_58 : memref<1x80xi32, #tpu.memory_space<vmem>> -> memref<80xi32, #tpu.memory_space<vmem>>
        %dma_start3A_60 = arith.constant 0 : i32
        %dma_start3A_61 = arith.constant 0 : i32
        %dma_start3A_62 = tpu.memref_slice %arg10[%dma_start3A_60, %dma_start3A_61] : memref<10240x80xf32, #tpu.memory_space<vmem_shared>> -> memref<10240x80xf32, #tpu.memory_space<vmem_shared>>
        tpu.enqueue_indirect_dma source(%arg8 : memref<80x80xf32, #tpu.memory_space<vmem>>) target(%dma_start3A_62 : memref<10240x80xf32, #tpu.memory_space<vmem_shared>>) offsets(%dma_start3A_59 : memref<80xi32, #tpu.memory_space<vmem>>) semaphore(%run_scoped3A : memref<!tpu.dma_semaphore, #tpu.memory_space<semaphore_mem>>) {add = true}
        %dma_wait3A_63 = arith.constant 0 : i32
        %dma_wait3A_64 = tpu.memref_slice %arg7[%scan3A_46, %dma_wait3A_63] : memref<125x80xi32, #tpu.memory_space<vmem>> -> memref<1x80xi32, #tpu.memory_space<vmem>>
        %dma_wait3A_65 = tpu.memref_squeeze %dma_wait3A_64 : memref<1x80xi32, #tpu.memory_space<vmem>> -> memref<80xi32, #tpu.memory_space<vmem>>
        %dma_wait3A_66 = arith.constant 0 : i32
        %dma_wait3A_67 = arith.constant 0 : i32
        %dma_wait3A_68 = tpu.memref_slice %arg10[%dma_wait3A_66, %dma_wait3A_67] : memref<10240x80xf32, #tpu.memory_space<vmem_shared>> -> memref<10240x80xf32, #tpu.memory_space<vmem_shared>>
        tpu.wait_indirect_dma semaphore(%run_scoped3A : memref<!tpu.dma_semaphore, #tpu.memory_space<semaphore_mem>>) src(%arg8 : memref<80x80xf32, #tpu.memory_space<vmem>>) dst(%dma_wait3A_68 : memref<10240x80xf32, #tpu.memory_space<vmem_shared>>)
        tpu.yield
      }) : () -> ()
    }
    %scan3A_24 = arith.constant 125 : i32
    %barrier3A_25 = arith.constant 0 : index
    tpu.barrier barrier_id(%barrier3A_25)
    %add3A_26 = arith.constant 0 : i32
    %add3A_27 = arith.addi %mul3A_2, %add3A_26 : i32
    "tpu.region"() ({
      %run_scoped3A = tpu.sem_alloc : memref<!tpu.dma_semaphore, #tpu.memory_space<semaphore_mem>>
      %dma_start3A = arith.constant 0 : i32
      %dma_start3A_46 = tpu.memref_slice %arg10[%add3A_27, %dma_start3A] : memref<10240x80xf32, #tpu.memory_space<vmem_shared>> -> memref<128x80xf32, #tpu.memory_space<vmem_shared>>
      %dma_start3A_47 = arith.constant 0 : i32
      %dma_start3A_48 = tpu.memref_slice %arg10[%add3A_27, %dma_start3A_47] : memref<10240x80xf32, #tpu.memory_space<vmem_shared>> -> memref<128x80xf32, #tpu.memory_space<vmem_shared>>
      tpu.enqueue_dma source(%dma_start3A_48 : memref<128x80xf32, #tpu.memory_space<vmem_shared>>) target(%arg9 : memref<128x80xf32, #tpu.memory_space<vmem>>) target_semaphore(%run_scoped3A : memref<!tpu.dma_semaphore, #tpu.memory_space<semaphore_mem>>)
      %dma_wait3A = arith.constant 0 : i32
      %dma_wait3A_49 = tpu.memref_slice %arg10[%add3A_27, %dma_wait3A] : memref<10240x80xf32, #tpu.memory_space<vmem_shared>> -> memref<128x80xf32, #tpu.memory_space<vmem_shared>>
      %dma_wait3A_50 = arith.constant 0 : i32
      %dma_wait3A_51 = tpu.memref_slice %arg10[%add3A_27, %dma_wait3A_50] : memref<10240x80xf32, #tpu.memory_space<vmem_shared>> -> memref<128x80xf32, #tpu.memory_space<vmem_shared>>
      tpu.wait_dma2 semaphore(%run_scoped3A : memref<!tpu.dma_semaphore, #tpu.memory_space<semaphore_mem>>) src(%dma_wait3A_51 : memref<128x80xf32, #tpu.memory_space<vmem_shared>>) dst(%arg9 : memref<128x80xf32, #tpu.memory_space<vmem>>)
      tpu.yield
    }) : () -> ()
    %add3A_28 = arith.constant 0 : i32
    %add3A_29 = arith.addi %mul3A_2, %add3A_28 : i32
    "tpu.region"() ({
      %run_scoped3A = tpu.sem_alloc : memref<!tpu.dma_semaphore, #tpu.memory_space<semaphore_mem>>
      %dma_start3A = arith.constant 0 : i32
      %dma_start3A_46 = tpu.memref_slice %arg5[%arg0, %add3A_29, %dma_start3A] : memref<2x10240x80xf32, #tpu.memory_space<hbm>> -> memref<1x128x80xf32, #tpu.memory_space<hbm>>
      %dma_start3A_47 = tpu.memref_squeeze %dma_start3A_46 : memref<1x128x80xf32, #tpu.memory_space<hbm>> -> memref<128x80xf32, #tpu.memory_space<hbm>>
      %dma_start3A_48 = arith.constant 0 : i32
      %dma_start3A_49 = tpu.memref_slice %arg5[%arg0, %add3A_29, %dma_start3A_48] : memref<2x10240x80xf32, #tpu.memory_space<hbm>> -> memref<1x128x80xf32, #tpu.memory_space<hbm>>
      %dma_start3A_50 = tpu.memref_squeeze %dma_start3A_49 : memref<1x128x80xf32, #tpu.memory_space<hbm>> -> memref<128x80xf32, #tpu.memory_space<hbm>>
      tpu.enqueue_dma source(%arg9 : memref<128x80xf32, #tpu.memory_space<vmem>>) target(%dma_start3A_50 : memref<128x80xf32, #tpu.memory_space<hbm>>) target_semaphore(%run_scoped3A : memref<!tpu.dma_semaphore, #tpu.memory_space<semaphore_mem>>)
      %dma_wait3A = arith.constant 0 : i32
      %dma_wait3A_51 = tpu.memref_slice %arg5[%arg0, %add3A_29, %dma_wait3A] : memref<2x10240x80xf32, #tpu.memory_space<hbm>> -> memref<1x128x80xf32, #tpu.memory_space<hbm>>
      %dma_wait3A_52 = tpu.memref_squeeze %dma_wait3A_51 : memref<1x128x80xf32, #tpu.memory_space<hbm>> -> memref<128x80xf32, #tpu.memory_space<hbm>>
      %dma_wait3A_53 = arith.constant 0 : i32
      %dma_wait3A_54 = tpu.memref_slice %arg5[%arg0, %add3A_29, %dma_wait3A_53] : memref<2x10240x80xf32, #tpu.memory_space<hbm>> -> memref<1x128x80xf32, #tpu.memory_space<hbm>>
      %dma_wait3A_55 = tpu.memref_squeeze %dma_wait3A_54 : memref<1x128x80xf32, #tpu.memory_space<hbm>> -> memref<128x80xf32, #tpu.memory_space<hbm>>
      tpu.wait_dma2 semaphore(%run_scoped3A : memref<!tpu.dma_semaphore, #tpu.memory_space<semaphore_mem>>) src(%arg9 : memref<128x80xf32, #tpu.memory_space<vmem>>) dst(%dma_wait3A_55 : memref<128x80xf32, #tpu.memory_space<hbm>>)
      tpu.yield
    }) : () -> ()
    %add3A_30 = arith.constant 128 : i32
    %add3A_31 = arith.addi %mul3A_2, %add3A_30 : i32
    "tpu.region"() ({
      %run_scoped3A = tpu.sem_alloc : memref<!tpu.dma_semaphore, #tpu.memory_space<semaphore_mem>>
      %dma_start3A = arith.constant 0 : i32
      %dma_start3A_46 = tpu.memref_slice %arg10[%add3A_31, %dma_start3A] : memref<10240x80xf32, #tpu.memory_space<vmem_shared>> -> memref<128x80xf32, #tpu.memory_space<vmem_shared>>
      %dma_start3A_47 = arith.constant 0 : i32
      %dma_start3A_48 = tpu.memref_slice %arg10[%add3A_31, %dma_start3A_47] : memref<10240x80xf32, #tpu.memory_space<vmem_shared>> -> memref<128x80xf32, #tpu.memory_space<vmem_shared>>
      tpu.enqueue_dma source(%dma_start3A_48 : memref<128x80xf32, #tpu.memory_space<vmem_shared>>) target(%arg9 : memref<128x80xf32, #tpu.memory_space<vmem>>) target_semaphore(%run_scoped3A : memref<!tpu.dma_semaphore, #tpu.memory_space<semaphore_mem>>)
      %dma_wait3A = arith.constant 0 : i32
      %dma_wait3A_49 = tpu.memref_slice %arg10[%add3A_31, %dma_wait3A] : memref<10240x80xf32, #tpu.memory_space<vmem_shared>> -> memref<128x80xf32, #tpu.memory_space<vmem_shared>>
      %dma_wait3A_50 = arith.constant 0 : i32
      %dma_wait3A_51 = tpu.memref_slice %arg10[%add3A_31, %dma_wait3A_50] : memref<10240x80xf32, #tpu.memory_space<vmem_shared>> -> memref<128x80xf32, #tpu.memory_space<vmem_shared>>
      tpu.wait_dma2 semaphore(%run_scoped3A : memref<!tpu.dma_semaphore, #tpu.memory_space<semaphore_mem>>) src(%dma_wait3A_51 : memref<128x80xf32, #tpu.memory_space<vmem_shared>>) dst(%arg9 : memref<128x80xf32, #tpu.memory_space<vmem>>)
      tpu.yield
    }) : () -> ()
    %add3A_32 = arith.constant 128 : i32
    %add3A_33 = arith.addi %mul3A_2, %add3A_32 : i32
    "tpu.region"() ({
      %run_scoped3A = tpu.sem_alloc : memref<!tpu.dma_semaphore, #tpu.memory_space<semaphore_mem>>
      %dma_start3A = arith.constant 0 : i32
      %dma_start3A_46 = tpu.memref_slice %arg5[%arg0, %add3A_33, %dma_start3A] : memref<2x10240x80xf32, #tpu.memory_space<hbm>> -> memref<1x128x80xf32, #tpu.memory_space<hbm>>
      %dma_start3A_47 = tpu.memref_squeeze %dma_start3A_46 : memref<1x128x80xf32, #tpu.memory_space<hbm>> -> memref<128x80xf32, #tpu.memory_space<hbm>>
      %dma_start3A_48 = arith.constant 0 : i32
      %dma_start3A_49 = tpu.memref_slice %arg5[%arg0, %add3A_33, %dma_start3A_48] : memref<2x10240x80xf32, #tpu.memory_space<hbm>> -> memref<1x128x80xf32, #tpu.memory_space<hbm>>
      %dma_start3A_50 = tpu.memref_squeeze %dma_start3A_49 : memref<1x128x80xf32, #tpu.memory_space<hbm>> -> memref<128x80xf32, #tpu.memory_space<hbm>>
      tpu.enqueue_dma source(%arg9 : memref<128x80xf32, #tpu.memory_space<vmem>>) target(%dma_start3A_50 : memref<128x80xf32, #tpu.memory_space<hbm>>) target_semaphore(%run_scoped3A : memref<!tpu.dma_semaphore, #tpu.memory_space<semaphore_mem>>)
      %dma_wait3A = arith.constant 0 : i32
      %dma_wait3A_51 = tpu.memref_slice %arg5[%arg0, %add3A_33, %dma_wait3A] : memref<2x10240x80xf32, #tpu.memory_space<hbm>> -> memref<1x128x80xf32, #tpu.memory_space<hbm>>
      %dma_wait3A_52 = tpu.memref_squeeze %dma_wait3A_51 : memref<1x128x80xf32, #tpu.memory_space<hbm>> -> memref<128x80xf32, #tpu.memory_space<hbm>>
      %dma_wait3A_53 = arith.constant 0 : i32
      %dma_wait3A_54 = tpu.memref_slice %arg5[%arg0, %add3A_33, %dma_wait3A_53] : memref<2x10240x80xf32, #tpu.memory_space<hbm>> -> memref<1x128x80xf32, #tpu.memory_space<hbm>>
      %dma_wait3A_55 = tpu.memref_squeeze %dma_wait3A_54 : memref<1x128x80xf32, #tpu.memory_space<hbm>> -> memref<128x80xf32, #tpu.memory_space<hbm>>
      tpu.wait_dma2 semaphore(%run_scoped3A : memref<!tpu.dma_semaphore, #tpu.memory_space<semaphore_mem>>) src(%arg9 : memref<128x80xf32, #tpu.memory_space<vmem>>) dst(%dma_wait3A_55 : memref<128x80xf32, #tpu.memory_space<hbm>>)
      tpu.yield
    }) : () -> ()
    %add3A_34 = arith.constant 256 : i32
    %add3A_35 = arith.addi %mul3A_2, %add3A_34 : i32
    "tpu.region"() ({
      %run_scoped3A = tpu.sem_alloc : memref<!tpu.dma_semaphore, #tpu.memory_space<semaphore_mem>>
      %dma_start3A = arith.constant 0 : i32
      %dma_start3A_46 = tpu.memref_slice %arg10[%add3A_35, %dma_start3A] : memref<10240x80xf32, #tpu.memory_space<vmem_shared>> -> memref<128x80xf32, #tpu.memory_space<vmem_shared>>
      %dma_start3A_47 = arith.constant 0 : i32
      %dma_start3A_48 = tpu.memref_slice %arg10[%add3A_35, %dma_start3A_47] : memref<10240x80xf32, #tpu.memory_space<vmem_shared>> -> memref<128x80xf32, #tpu.memory_space<vmem_shared>>
      tpu.enqueue_dma source(%dma_start3A_48 : memref<128x80xf32, #tpu.memory_space<vmem_shared>>) target(%arg9 : memref<128x80xf32, #tpu.memory_space<vmem>>) target_semaphore(%run_scoped3A : memref<!tpu.dma_semaphore, #tpu.memory_space<semaphore_mem>>)
      %dma_wait3A = arith.constant 0 : i32
      %dma_wait3A_49 = tpu.memref_slice %arg10[%add3A_35, %dma_wait3A] : memref<10240x80xf32, #tpu.memory_space<vmem_shared>> -> memref<128x80xf32, #tpu.memory_space<vmem_shared>>
      %dma_wait3A_50 = arith.constant 0 : i32
      %dma_wait3A_51 = tpu.memref_slice %arg10[%add3A_35, %dma_wait3A_50] : memref<10240x80xf32, #tpu.memory_space<vmem_shared>> -> memref<128x80xf32, #tpu.memory_space<vmem_shared>>
      tpu.wait_dma2 semaphore(%run_scoped3A : memref<!tpu.dma_semaphore, #tpu.memory_space<semaphore_mem>>) src(%dma_wait3A_51 : memref<128x80xf32, #tpu.memory_space<vmem_shared>>) dst(%arg9 : memref<128x80xf32, #tpu.memory_space<vmem>>)
      tpu.yield
    }) : () -> ()
    %add3A_36 = arith.constant 256 : i32
    %add3A_37 = arith.addi %mul3A_2, %add3A_36 : i32
    "tpu.region"() ({
      %run_scoped3A = tpu.sem_alloc : memref<!tpu.dma_semaphore, #tpu.memory_space<semaphore_mem>>
      %dma_start3A = arith.constant 0 : i32
      %dma_start3A_46 = tpu.memref_slice %arg5[%arg0, %add3A_37, %dma_start3A] : memref<2x10240x80xf32, #tpu.memory_space<hbm>> -> memref<1x128x80xf32, #tpu.memory_space<hbm>>
      %dma_start3A_47 = tpu.memref_squeeze %dma_start3A_46 : memref<1x128x80xf32, #tpu.memory_space<hbm>> -> memref<128x80xf32, #tpu.memory_space<hbm>>
      %dma_start3A_48 = arith.constant 0 : i32
      %dma_start3A_49 = tpu.memref_slice %arg5[%arg0, %add3A_37, %dma_start3A_48] : memref<2x10240x80xf32, #tpu.memory_space<hbm>> -> memref<1x128x80xf32, #tpu.memory_space<hbm>>
      %dma_start3A_50 = tpu.memref_squeeze %dma_start3A_49 : memref<1x128x80xf32, #tpu.memory_space<hbm>> -> memref<128x80xf32, #tpu.memory_space<hbm>>
      tpu.enqueue_dma source(%arg9 : memref<128x80xf32, #tpu.memory_space<vmem>>) target(%dma_start3A_50 : memref<128x80xf32, #tpu.memory_space<hbm>>) target_semaphore(%run_scoped3A : memref<!tpu.dma_semaphore, #tpu.memory_space<semaphore_mem>>)
      %dma_wait3A = arith.constant 0 : i32
      %dma_wait3A_51 = tpu.memref_slice %arg5[%arg0, %add3A_37, %dma_wait3A] : memref<2x10240x80xf32, #tpu.memory_space<hbm>> -> memref<1x128x80xf32, #tpu.memory_space<hbm>>
      %dma_wait3A_52 = tpu.memref_squeeze %dma_wait3A_51 : memref<1x128x80xf32, #tpu.memory_space<hbm>> -> memref<128x80xf32, #tpu.memory_space<hbm>>
      %dma_wait3A_53 = arith.constant 0 : i32
      %dma_wait3A_54 = tpu.memref_slice %arg5[%arg0, %add3A_37, %dma_wait3A_53] : memref<2x10240x80xf32, #tpu.memory_space<hbm>> -> memref<1x128x80xf32, #tpu.memory_space<hbm>>
      %dma_wait3A_55 = tpu.memref_squeeze %dma_wait3A_54 : memref<1x128x80xf32, #tpu.memory_space<hbm>> -> memref<128x80xf32, #tpu.memory_space<hbm>>
      tpu.wait_dma2 semaphore(%run_scoped3A : memref<!tpu.dma_semaphore, #tpu.memory_space<semaphore_mem>>) src(%arg9 : memref<128x80xf32, #tpu.memory_space<vmem>>) dst(%dma_wait3A_55 : memref<128x80xf32, #tpu.memory_space<hbm>>)
      tpu.yield
    }) : () -> ()
    %add3A_38 = arith.constant 384 : i32
    %add3A_39 = arith.addi %mul3A_2, %add3A_38 : i32
    "tpu.region"() ({
      %run_scoped3A = tpu.sem_alloc : memref<!tpu.dma_semaphore, #tpu.memory_space<semaphore_mem>>
      %dma_start3A = arith.constant 0 : i32
      %dma_start3A_46 = tpu.memref_slice %arg10[%add3A_39, %dma_start3A] : memref<10240x80xf32, #tpu.memory_space<vmem_shared>> -> memref<128x80xf32, #tpu.memory_space<vmem_shared>>
      %dma_start3A_47 = arith.constant 0 : i32
      %dma_start3A_48 = tpu.memref_slice %arg10[%add3A_39, %dma_start3A_47] : memref<10240x80xf32, #tpu.memory_space<vmem_shared>> -> memref<128x80xf32, #tpu.memory_space<vmem_shared>>
      tpu.enqueue_dma source(%dma_start3A_48 : memref<128x80xf32, #tpu.memory_space<vmem_shared>>) target(%arg9 : memref<128x80xf32, #tpu.memory_space<vmem>>) target_semaphore(%run_scoped3A : memref<!tpu.dma_semaphore, #tpu.memory_space<semaphore_mem>>)
      %dma_wait3A = arith.constant 0 : i32
      %dma_wait3A_49 = tpu.memref_slice %arg10[%add3A_39, %dma_wait3A] : memref<10240x80xf32, #tpu.memory_space<vmem_shared>> -> memref<128x80xf32, #tpu.memory_space<vmem_shared>>
      %dma_wait3A_50 = arith.constant 0 : i32
      %dma_wait3A_51 = tpu.memref_slice %arg10[%add3A_39, %dma_wait3A_50] : memref<10240x80xf32, #tpu.memory_space<vmem_shared>> -> memref<128x80xf32, #tpu.memory_space<vmem_shared>>
      tpu.wait_dma2 semaphore(%run_scoped3A : memref<!tpu.dma_semaphore, #tpu.memory_space<semaphore_mem>>) src(%dma_wait3A_51 : memref<128x80xf32, #tpu.memory_space<vmem_shared>>) dst(%arg9 : memref<128x80xf32, #tpu.memory_space<vmem>>)
      tpu.yield
    }) : () -> ()
    %add3A_40 = arith.constant 384 : i32
    %add3A_41 = arith.addi %mul3A_2, %add3A_40 : i32
    "tpu.region"() ({
      %run_scoped3A = tpu.sem_alloc : memref<!tpu.dma_semaphore, #tpu.memory_space<semaphore_mem>>
      %dma_start3A = arith.constant 0 : i32
      %dma_start3A_46 = tpu.memref_slice %arg5[%arg0, %add3A_41, %dma_start3A] : memref<2x10240x80xf32, #tpu.memory_space<hbm>> -> memref<1x128x80xf32, #tpu.memory_space<hbm>>
      %dma_start3A_47 = tpu.memref_squeeze %dma_start3A_46 : memref<1x128x80xf32, #tpu.memory_space<hbm>> -> memref<128x80xf32, #tpu.memory_space<hbm>>
      %dma_start3A_48 = arith.constant 0 : i32
      %dma_start3A_49 = tpu.memref_slice %arg5[%arg0, %add3A_41, %dma_start3A_48] : memref<2x10240x80xf32, #tpu.memory_space<hbm>> -> memref<1x128x80xf32, #tpu.memory_space<hbm>>
      %dma_start3A_50 = tpu.memref_squeeze %dma_start3A_49 : memref<1x128x80xf32, #tpu.memory_space<hbm>> -> memref<128x80xf32, #tpu.memory_space<hbm>>
      tpu.enqueue_dma source(%arg9 : memref<128x80xf32, #tpu.memory_space<vmem>>) target(%dma_start3A_50 : memref<128x80xf32, #tpu.memory_space<hbm>>) target_semaphore(%run_scoped3A : memref<!tpu.dma_semaphore, #tpu.memory_space<semaphore_mem>>)
      %dma_wait3A = arith.constant 0 : i32
      %dma_wait3A_51 = tpu.memref_slice %arg5[%arg0, %add3A_41, %dma_wait3A] : memref<2x10240x80xf32, #tpu.memory_space<hbm>> -> memref<1x128x80xf32, #tpu.memory_space<hbm>>
      %dma_wait3A_52 = tpu.memref_squeeze %dma_wait3A_51 : memref<1x128x80xf32, #tpu.memory_space<hbm>> -> memref<128x80xf32, #tpu.memory_space<hbm>>
      %dma_wait3A_53 = arith.constant 0 : i32
      %dma_wait3A_54 = tpu.memref_slice %arg5[%arg0, %add3A_41, %dma_wait3A_53] : memref<2x10240x80xf32, #tpu.memory_space<hbm>> -> memref<1x128x80xf32, #tpu.memory_space<hbm>>
      %dma_wait3A_55 = tpu.memref_squeeze %dma_wait3A_54 : memref<1x128x80xf32, #tpu.memory_space<hbm>> -> memref<128x80xf32, #tpu.memory_space<hbm>>
      tpu.wait_dma2 semaphore(%run_scoped3A : memref<!tpu.dma_semaphore, #tpu.memory_space<semaphore_mem>>) src(%arg9 : memref<128x80xf32, #tpu.memory_space<vmem>>) dst(%dma_wait3A_55 : memref<128x80xf32, #tpu.memory_space<hbm>>)
      tpu.yield
    }) : () -> ()
    %add3A_42 = arith.constant 512 : i32
    %add3A_43 = arith.addi %mul3A_2, %add3A_42 : i32
    "tpu.region"() ({
      %run_scoped3A = tpu.sem_alloc : memref<!tpu.dma_semaphore, #tpu.memory_space<semaphore_mem>>
      %dma_start3A = arith.constant 0 : i32
      %dma_start3A_46 = tpu.memref_slice %arg10[%add3A_43, %dma_start3A] : memref<10240x80xf32, #tpu.memory_space<vmem_shared>> -> memref<128x80xf32, #tpu.memory_space<vmem_shared>>
      %dma_start3A_47 = arith.constant 0 : i32
      %dma_start3A_48 = tpu.memref_slice %arg10[%add3A_43, %dma_start3A_47] : memref<10240x80xf32, #tpu.memory_space<vmem_shared>> -> memref<128x80xf32, #tpu.memory_space<vmem_shared>>
      tpu.enqueue_dma source(%dma_start3A_48 : memref<128x80xf32, #tpu.memory_space<vmem_shared>>) target(%arg9 : memref<128x80xf32, #tpu.memory_space<vmem>>) target_semaphore(%run_scoped3A : memref<!tpu.dma_semaphore, #tpu.memory_space<semaphore_mem>>)
      %dma_wait3A = arith.constant 0 : i32
      %dma_wait3A_49 = tpu.memref_slice %arg10[%add3A_43, %dma_wait3A] : memref<10240x80xf32, #tpu.memory_space<vmem_shared>> -> memref<128x80xf32, #tpu.memory_space<vmem_shared>>
      %dma_wait3A_50 = arith.constant 0 : i32
      %dma_wait3A_51 = tpu.memref_slice %arg10[%add3A_43, %dma_wait3A_50] : memref<10240x80xf32, #tpu.memory_space<vmem_shared>> -> memref<128x80xf32, #tpu.memory_space<vmem_shared>>
      tpu.wait_dma2 semaphore(%run_scoped3A : memref<!tpu.dma_semaphore, #tpu.memory_space<semaphore_mem>>) src(%dma_wait3A_51 : memref<128x80xf32, #tpu.memory_space<vmem_shared>>) dst(%arg9 : memref<128x80xf32, #tpu.memory_space<vmem>>)
      tpu.yield
    }) : () -> ()
    %add3A_44 = arith.constant 512 : i32
    %add3A_45 = arith.addi %mul3A_2, %add3A_44 : i32
    "tpu.region"() ({
      %run_scoped3A = tpu.sem_alloc : memref<!tpu.dma_semaphore, #tpu.memory_space<semaphore_mem>>
      %dma_start3A = arith.constant 0 : i32
      %dma_start3A_46 = tpu.memref_slice %arg5[%arg0, %add3A_45, %dma_start3A] : memref<2x10240x80xf32, #tpu.memory_space<hbm>> -> memref<1x128x80xf32, #tpu.memory_space<hbm>>
      %dma_start3A_47 = tpu.memref_squeeze %dma_start3A_46 : memref<1x128x80xf32, #tpu.memory_space<hbm>> -> memref<128x80xf32, #tpu.memory_space<hbm>>
      %dma_start3A_48 = arith.constant 0 : i32
      %dma_start3A_49 = tpu.memref_slice %arg5[%arg0, %add3A_45, %dma_start3A_48] : memref<2x10240x80xf32, #tpu.memory_space<hbm>> -> memref<1x128x80xf32, #tpu.memory_space<hbm>>
      %dma_start3A_50 = tpu.memref_squeeze %dma_start3A_49 : memref<1x128x80xf32, #tpu.memory_space<hbm>> -> memref<128x80xf32, #tpu.memory_space<hbm>>
      tpu.enqueue_dma source(%arg9 : memref<128x80xf32, #tpu.memory_space<vmem>>) target(%dma_start3A_50 : memref<128x80xf32, #tpu.memory_space<hbm>>) target_semaphore(%run_scoped3A : memref<!tpu.dma_semaphore, #tpu.memory_space<semaphore_mem>>)
      %dma_wait3A = arith.constant 0 : i32
      %dma_wait3A_51 = tpu.memref_slice %arg5[%arg0, %add3A_45, %dma_wait3A] : memref<2x10240x80xf32, #tpu.memory_space<hbm>> -> memref<1x128x80xf32, #tpu.memory_space<hbm>>
      %dma_wait3A_52 = tpu.memref_squeeze %dma_wait3A_51 : memref<1x128x80xf32, #tpu.memory_space<hbm>> -> memref<128x80xf32, #tpu.memory_space<hbm>>
      %dma_wait3A_53 = arith.constant 0 : i32
      %dma_wait3A_54 = tpu.memref_slice %arg5[%arg0, %add3A_45, %dma_wait3A_53] : memref<2x10240x80xf32, #tpu.memory_space<hbm>> -> memref<1x128x80xf32, #tpu.memory_space<hbm>>
      %dma_wait3A_55 = tpu.memref_squeeze %dma_wait3A_54 : memref<1x128x80xf32, #tpu.memory_space<hbm>> -> memref<128x80xf32, #tpu.memory_space<hbm>>
      tpu.wait_dma2 semaphore(%run_scoped3A : memref<!tpu.dma_semaphore, #tpu.memory_space<semaphore_mem>>) src(%arg9 : memref<128x80xf32, #tpu.memory_space<vmem>>) dst(%dma_wait3A_55 : memref<128x80xf32, #tpu.memory_space<hbm>>)
      tpu.yield
    }) : () -> ()
    return
  }
}

#map = affine_map<(d0, d1) -> (0, 0)>
#map1 = affine_map<(d0, d1) -> (0, 0, 0)>
module attributes {stable_mosaic.version = 14 : i64} {
  func.func @seg(%arg0: i32, %arg1: i32, %arg2: memref<10000x64xf32, #tpu.memory_space<hbm>>, %arg3: memref<32x125x80xi32, #tpu.memory_space<hbm>>, %arg4: memref<32x125x80xi32, #tpu.memory_space<hbm>>, %arg5: memref<2x10240x64xf32, #tpu.memory_space<hbm>>, %arg6: memref<125x80xi32, #tpu.memory_space<vmem>>, %arg7: memref<125x80xi32, #tpu.memory_space<vmem>>, %arg8: memref<80x64xf32, #tpu.memory_space<vmem>>, %arg9: memref<128x64xf32, #tpu.memory_space<vmem>>, %arg10: memref<10240x64xf32, #tpu.memory_space<vmem_shared>>, %arg11: memref<!tpu.dma_semaphore, #tpu.memory_space<semaphore_mem>>) attributes {dimension_semantics = [#tpu.dimension_semantics<core_parallel>, #tpu.dimension_semantics<subcore_parallel>], iteration_bounds = array<i64: 2, 16>, scalar_prefetch = 0 : i64, scratch_operands = 6 : i64, tpu.core_type = #tpu.core_type<sc_vector_subcore>, window_params = [{transform_indices = #map}, {transform_indices = #map1}, {transform_indices = #map1}, {transform_indices = #map1}]} {
    %mul3A = arith.constant 16 : i32
    %mul3A_0 = arith.muli %arg0, %mul3A : i32
    %add3A = arith.addi %mul3A_0, %arg1 : i32
    %mul3A_1 = arith.constant 640 : i32
    %mul3A_2 = arith.muli %arg1, %mul3A_1 : i32
    %broadcast_in_dim3A = arith.constant 0.000000e+00 : f32
    %broadcast_in_dim3A_3 = vector.broadcast %broadcast_in_dim3A : f32 to vector<16xf32>
    %scan3A = arith.constant 0 : i32
    %scan3A_4 = arith.constant 0 : i32
    %scan3A_5 = arith.constant 512 : i32
    %scan3A_6 = arith.addi %scan3A_4, %scan3A_5 : i32
    %scan3A_7 = arith.constant 1 : i32
    scf.for %scan3A_46 = %scan3A_4 to %scan3A_6 step %scan3A_7  : i32 {
      %jit3A = arith.constant 4 : i32
      %div3A = arith.divsi %scan3A_46, %jit3A : i32
      %sign3A = arith.constant 0 : i32
      %sign3A_47 = arith.cmpi sgt, %scan3A_46, %sign3A : i32
      %sign3A_48 = arith.extui %sign3A_47 : i1 to i32
      %sign3A_49 = arith.constant 0 : i32
      %sign3A_50 = arith.cmpi slt, %scan3A_46, %sign3A_49 : i32
      %sign3A_51 = arith.extui %sign3A_50 : i1 to i32
      %sign3A_52 = arith.subi %sign3A_48, %sign3A_51 : i32
      %sign3A_53 = arith.constant 0 : i32
      %sign3A_54 = arith.cmpi sgt, %jit3A, %sign3A_53 : i32
      %sign3A_55 = arith.extui %sign3A_54 : i1 to i32
      %sign3A_56 = arith.constant 0 : i32
      %sign3A_57 = arith.cmpi slt, %jit3A, %sign3A_56 : i32
      %sign3A_58 = arith.extui %sign3A_57 : i1 to i32
      %sign3A_59 = arith.subi %sign3A_55, %sign3A_58 : i32
      %ne3A = arith.cmpi ne, %sign3A_52, %sign3A_59 : i32
      %rem3A = arith.remsi %scan3A_46, %jit3A : i32
      %ne3A_60 = arith.constant 0 : i32
      %ne3A_61 = arith.cmpi ne, %rem3A, %ne3A_60 : i32
      %and3A = arith.andi %ne3A, %ne3A_61 : i1
      %sub3A = arith.constant 1 : i32
      %sub3A_62 = arith.subi %div3A, %sub3A : i32
      %select_n3A = arith.select %and3A, %sub3A_62, %div3A : i32
      %jit3A_63 = arith.constant 4 : i32
      %eq3A = arith.constant 0 : i32
      %eq3A_64 = arith.cmpi eq, %jit3A_63, %eq3A : i32
      %jit3A_65 = arith.constant 1 : i32
      %select_n3A_66 = arith.select %eq3A_64, %jit3A_65, %jit3A_63 : i32
      %rem3A_67 = arith.remsi %scan3A_46, %select_n3A_66 : i32
      %ne3A_68 = arith.constant 0 : i32
      %ne3A_69 = arith.cmpi ne, %rem3A_67, %ne3A_68 : i32
      %lt3A = arith.constant 0 : i32
      %lt3A_70 = arith.cmpi slt, %rem3A_67, %lt3A : i32
      %lt3A_71 = arith.constant 0 : i32
      %lt3A_72 = arith.cmpi slt, %select_n3A_66, %lt3A_71 : i32
      %ne3A_73 = arith.xori %lt3A_70, %lt3A_72 : i1
      %and3A_74 = arith.andi %ne3A_73, %ne3A_69 : i1
      %add3A_75 = arith.addi %rem3A_67, %select_n3A_66 : i32
      %select_n3A_76 = arith.select %and3A_74, %add3A_75, %rem3A_67 : i32
      %mul3A_77 = arith.constant 16 : i32
      %mul3A_78 = arith.muli %select_n3A_76, %mul3A_77 : i32
      %swap3A = arith.index_cast %select_n3A : i32 to index
      %swap3A_79 = arith.index_cast %mul3A_78 : i32 to index
      %swap3A_80 = tpu.vector_load %arg9[%swap3A, %swap3A_79] {strides = array<i32>} : memref<128x64xf32, #tpu.memory_space<vmem>>, vector<1x16xf32>,
      %swap3A_81 = vector.shape_cast %swap3A_80 : vector<1x16xf32> to vector<16xf32>
      %swap3A_82 = vector.shape_cast %broadcast_in_dim3A_3 : vector<16xf32> to vector<1x16xf32>
      tpu.vector_store %arg9[%swap3A, %swap3A_79], %swap3A_82 {strides = array<i32>} : memref<128x64xf32, #tpu.memory_space<vmem>>, vector<1x16xf32>,
    }
    %scan3A_8 = arith.constant 512 : i32
    %add3A_9 = arith.constant 0 : i32
    %add3A_10 = arith.addi %mul3A_2, %add3A_9 : i32
    "tpu.region"() ({
      %run_scoped3A = tpu.sem_alloc : memref<!tpu.dma_semaphore, #tpu.memory_space<semaphore_mem>>
      %dma_start3A = arith.constant 0 : i32
      %dma_start3A_46 = tpu.memref_slice %arg10[%add3A_10, %dma_start3A] : memref<10240x64xf32, #tpu.memory_space<vmem_shared>> -> memref<128x64xf32, #tpu.memory_space<vmem_shared>>
      %dma_start3A_47 = arith.constant 0 : i32
      %dma_start3A_48 = tpu.memref_slice %arg10[%add3A_10, %dma_start3A_47] : memref<10240x64xf32, #tpu.memory_space<vmem_shared>> -> memref<128x64xf32, #tpu.memory_space<vmem_shared>>
      tpu.enqueue_dma source(%arg9 : memref<128x64xf32, #tpu.memory_space<vmem>>) target(%dma_start3A_48 : memref<128x64xf32, #tpu.memory_space<vmem_shared>>) target_semaphore(%run_scoped3A : memref<!tpu.dma_semaphore, #tpu.memory_space<semaphore_mem>>)
      %dma_wait3A = arith.constant 0 : i32
      %dma_wait3A_49 = tpu.memref_slice %arg10[%add3A_10, %dma_wait3A] : memref<10240x64xf32, #tpu.memory_space<vmem_shared>> -> memref<128x64xf32, #tpu.memory_space<vmem_shared>>
      %dma_wait3A_50 = arith.constant 0 : i32
      %dma_wait3A_51 = tpu.memref_slice %arg10[%add3A_10, %dma_wait3A_50] : memref<10240x64xf32, #tpu.memory_space<vmem_shared>> -> memref<128x64xf32, #tpu.memory_space<vmem_shared>>
      tpu.wait_dma2 semaphore(%run_scoped3A : memref<!tpu.dma_semaphore, #tpu.memory_space<semaphore_mem>>) src(%arg9 : memref<128x64xf32, #tpu.memory_space<vmem>>) dst(%dma_wait3A_51 : memref<128x64xf32, #tpu.memory_space<vmem_shared>>)
      tpu.yield
    }) : () -> ()
    %add3A_11 = arith.constant 128 : i32
    %add3A_12 = arith.addi %mul3A_2, %add3A_11 : i32
    "tpu.region"() ({
      %run_scoped3A = tpu.sem_alloc : memref<!tpu.dma_semaphore, #tpu.memory_space<semaphore_mem>>
      %dma_start3A = arith.constant 0 : i32
      %dma_start3A_46 = tpu.memref_slice %arg10[%add3A_12, %dma_start3A] : memref<10240x64xf32, #tpu.memory_space<vmem_shared>> -> memref<128x64xf32, #tpu.memory_space<vmem_shared>>
      %dma_start3A_47 = arith.constant 0 : i32
      %dma_start3A_48 = tpu.memref_slice %arg10[%add3A_12, %dma_start3A_47] : memref<10240x64xf32, #tpu.memory_space<vmem_shared>> -> memref<128x64xf32, #tpu.memory_space<vmem_shared>>
      tpu.enqueue_dma source(%arg9 : memref<128x64xf32, #tpu.memory_space<vmem>>) target(%dma_start3A_48 : memref<128x64xf32, #tpu.memory_space<vmem_shared>>) target_semaphore(%run_scoped3A : memref<!tpu.dma_semaphore, #tpu.memory_space<semaphore_mem>>)
      %dma_wait3A = arith.constant 0 : i32
      %dma_wait3A_49 = tpu.memref_slice %arg10[%add3A_12, %dma_wait3A] : memref<10240x64xf32, #tpu.memory_space<vmem_shared>> -> memref<128x64xf32, #tpu.memory_space<vmem_shared>>
      %dma_wait3A_50 = arith.constant 0 : i32
      %dma_wait3A_51 = tpu.memref_slice %arg10[%add3A_12, %dma_wait3A_50] : memref<10240x64xf32, #tpu.memory_space<vmem_shared>> -> memref<128x64xf32, #tpu.memory_space<vmem_shared>>
      tpu.wait_dma2 semaphore(%run_scoped3A : memref<!tpu.dma_semaphore, #tpu.memory_space<semaphore_mem>>) src(%arg9 : memref<128x64xf32, #tpu.memory_space<vmem>>) dst(%dma_wait3A_51 : memref<128x64xf32, #tpu.memory_space<vmem_shared>>)
      tpu.yield
    }) : () -> ()
    %add3A_13 = arith.constant 256 : i32
    %add3A_14 = arith.addi %mul3A_2, %add3A_13 : i32
    "tpu.region"() ({
      %run_scoped3A = tpu.sem_alloc : memref<!tpu.dma_semaphore, #tpu.memory_space<semaphore_mem>>
      %dma_start3A = arith.constant 0 : i32
      %dma_start3A_46 = tpu.memref_slice %arg10[%add3A_14, %dma_start3A] : memref<10240x64xf32, #tpu.memory_space<vmem_shared>> -> memref<128x64xf32, #tpu.memory_space<vmem_shared>>
      %dma_start3A_47 = arith.constant 0 : i32
      %dma_start3A_48 = tpu.memref_slice %arg10[%add3A_14, %dma_start3A_47] : memref<10240x64xf32, #tpu.memory_space<vmem_shared>> -> memref<128x64xf32, #tpu.memory_space<vmem_shared>>
      tpu.enqueue_dma source(%arg9 : memref<128x64xf32, #tpu.memory_space<vmem>>) target(%dma_start3A_48 : memref<128x64xf32, #tpu.memory_space<vmem_shared>>) target_semaphore(%run_scoped3A : memref<!tpu.dma_semaphore, #tpu.memory_space<semaphore_mem>>)
      %dma_wait3A = arith.constant 0 : i32
      %dma_wait3A_49 = tpu.memref_slice %arg10[%add3A_14, %dma_wait3A] : memref<10240x64xf32, #tpu.memory_space<vmem_shared>> -> memref<128x64xf32, #tpu.memory_space<vmem_shared>>
      %dma_wait3A_50 = arith.constant 0 : i32
      %dma_wait3A_51 = tpu.memref_slice %arg10[%add3A_14, %dma_wait3A_50] : memref<10240x64xf32, #tpu.memory_space<vmem_shared>> -> memref<128x64xf32, #tpu.memory_space<vmem_shared>>
      tpu.wait_dma2 semaphore(%run_scoped3A : memref<!tpu.dma_semaphore, #tpu.memory_space<semaphore_mem>>) src(%arg9 : memref<128x64xf32, #tpu.memory_space<vmem>>) dst(%dma_wait3A_51 : memref<128x64xf32, #tpu.memory_space<vmem_shared>>)
      tpu.yield
    }) : () -> ()
    %add3A_15 = arith.constant 384 : i32
    %add3A_16 = arith.addi %mul3A_2, %add3A_15 : i32
    "tpu.region"() ({
      %run_scoped3A = tpu.sem_alloc : memref<!tpu.dma_semaphore, #tpu.memory_space<semaphore_mem>>
      %dma_start3A = arith.constant 0 : i32
      %dma_start3A_46 = tpu.memref_slice %arg10[%add3A_16, %dma_start3A] : memref<10240x64xf32, #tpu.memory_space<vmem_shared>> -> memref<128x64xf32, #tpu.memory_space<vmem_shared>>
      %dma_start3A_47 = arith.constant 0 : i32
      %dma_start3A_48 = tpu.memref_slice %arg10[%add3A_16, %dma_start3A_47] : memref<10240x64xf32, #tpu.memory_space<vmem_shared>> -> memref<128x64xf32, #tpu.memory_space<vmem_shared>>
      tpu.enqueue_dma source(%arg9 : memref<128x64xf32, #tpu.memory_space<vmem>>) target(%dma_start3A_48 : memref<128x64xf32, #tpu.memory_space<vmem_shared>>) target_semaphore(%run_scoped3A : memref<!tpu.dma_semaphore, #tpu.memory_space<semaphore_mem>>)
      %dma_wait3A = arith.constant 0 : i32
      %dma_wait3A_49 = tpu.memref_slice %arg10[%add3A_16, %dma_wait3A] : memref<10240x64xf32, #tpu.memory_space<vmem_shared>> -> memref<128x64xf32, #tpu.memory_space<vmem_shared>>
      %dma_wait3A_50 = arith.constant 0 : i32
      %dma_wait3A_51 = tpu.memref_slice %arg10[%add3A_16, %dma_wait3A_50] : memref<10240x64xf32, #tpu.memory_space<vmem_shared>> -> memref<128x64xf32, #tpu.memory_space<vmem_shared>>
      tpu.wait_dma2 semaphore(%run_scoped3A : memref<!tpu.dma_semaphore, #tpu.memory_space<semaphore_mem>>) src(%arg9 : memref<128x64xf32, #tpu.memory_space<vmem>>) dst(%dma_wait3A_51 : memref<128x64xf32, #tpu.memory_space<vmem_shared>>)
      tpu.yield
    }) : () -> ()
    %add3A_17 = arith.constant 512 : i32
    %add3A_18 = arith.addi %mul3A_2, %add3A_17 : i32
    "tpu.region"() ({
      %run_scoped3A = tpu.sem_alloc : memref<!tpu.dma_semaphore, #tpu.memory_space<semaphore_mem>>
      %dma_start3A = arith.constant 0 : i32
      %dma_start3A_46 = tpu.memref_slice %arg10[%add3A_18, %dma_start3A] : memref<10240x64xf32, #tpu.memory_space<vmem_shared>> -> memref<128x64xf32, #tpu.memory_space<vmem_shared>>
      %dma_start3A_47 = arith.constant 0 : i32
      %dma_start3A_48 = tpu.memref_slice %arg10[%add3A_18, %dma_start3A_47] : memref<10240x64xf32, #tpu.memory_space<vmem_shared>> -> memref<128x64xf32, #tpu.memory_space<vmem_shared>>
      tpu.enqueue_dma source(%arg9 : memref<128x64xf32, #tpu.memory_space<vmem>>) target(%dma_start3A_48 : memref<128x64xf32, #tpu.memory_space<vmem_shared>>) target_semaphore(%run_scoped3A : memref<!tpu.dma_semaphore, #tpu.memory_space<semaphore_mem>>)
      %dma_wait3A = arith.constant 0 : i32
      %dma_wait3A_49 = tpu.memref_slice %arg10[%add3A_18, %dma_wait3A] : memref<10240x64xf32, #tpu.memory_space<vmem_shared>> -> memref<128x64xf32, #tpu.memory_space<vmem_shared>>
      %dma_wait3A_50 = arith.constant 0 : i32
      %dma_wait3A_51 = tpu.memref_slice %arg10[%add3A_18, %dma_wait3A_50] : memref<10240x64xf32, #tpu.memory_space<vmem_shared>> -> memref<128x64xf32, #tpu.memory_space<vmem_shared>>
      tpu.wait_dma2 semaphore(%run_scoped3A : memref<!tpu.dma_semaphore, #tpu.memory_space<semaphore_mem>>) src(%arg9 : memref<128x64xf32, #tpu.memory_space<vmem>>) dst(%dma_wait3A_51 : memref<128x64xf32, #tpu.memory_space<vmem_shared>>)
      tpu.yield
    }) : () -> ()
    %barrier3A = arith.constant 0 : index
    tpu.barrier barrier_id(%barrier3A)
    "tpu.region"() ({
      %run_scoped3A = tpu.sem_alloc : memref<!tpu.dma_semaphore, #tpu.memory_space<semaphore_mem>>
      %dma_start3A = arith.constant 0 : i32
      %dma_start3A_46 = arith.constant 0 : i32
      %dma_start3A_47 = tpu.memref_slice %arg3[%add3A, %dma_start3A, %dma_start3A_46] : memref<32x125x80xi32, #tpu.memory_space<hbm>> -> memref<1x125x80xi32, #tpu.memory_space<hbm>>
      %dma_start3A_48 = tpu.memref_squeeze %dma_start3A_47 : memref<1x125x80xi32, #tpu.memory_space<hbm>> -> memref<125x80xi32, #tpu.memory_space<hbm>>
      %dma_start3A_49 = arith.constant 0 : i32
      %dma_start3A_50 = arith.constant 0 : i32
      %dma_start3A_51 = tpu.memref_slice %arg3[%add3A, %dma_start3A_49, %dma_start3A_50] : memref<32x125x80xi32, #tpu.memory_space<hbm>> -> memref<1x125x80xi32, #tpu.memory_space<hbm>>
      %dma_start3A_52 = tpu.memref_squeeze %dma_start3A_51 : memref<1x125x80xi32, #tpu.memory_space<hbm>> -> memref<125x80xi32, #tpu.memory_space<hbm>>
      tpu.enqueue_dma source(%dma_start3A_52 : memref<125x80xi32, #tpu.memory_space<hbm>>) target(%arg6 : memref<125x80xi32, #tpu.memory_space<vmem>>) target_semaphore(%run_scoped3A : memref<!tpu.dma_semaphore, #tpu.memory_space<semaphore_mem>>)
      %dma_wait3A = arith.constant 0 : i32
      %dma_wait3A_53 = arith.constant 0 : i32
      %dma_wait3A_54 = tpu.memref_slice %arg3[%add3A, %dma_wait3A, %dma_wait3A_53] : memref<32x125x80xi32, #tpu.memory_space<hbm>> -> memref<1x125x80xi32, #tpu.memory_space<hbm>>
      %dma_wait3A_55 = tpu.memref_squeeze %dma_wait3A_54 : memref<1x125x80xi32, #tpu.memory_space<hbm>> -> memref<125x80xi32, #tpu.memory_space<hbm>>
      %dma_wait3A_56 = arith.constant 0 : i32
      %dma_wait3A_57 = arith.constant 0 : i32
      %dma_wait3A_58 = tpu.memref_slice %arg3[%add3A, %dma_wait3A_56, %dma_wait3A_57] : memref<32x125x80xi32, #tpu.memory_space<hbm>> -> memref<1x125x80xi32, #tpu.memory_space<hbm>>
      %dma_wait3A_59 = tpu.memref_squeeze %dma_wait3A_58 : memref<1x125x80xi32, #tpu.memory_space<hbm>> -> memref<125x80xi32, #tpu.memory_space<hbm>>
      tpu.wait_dma2 semaphore(%run_scoped3A : memref<!tpu.dma_semaphore, #tpu.memory_space<semaphore_mem>>) src(%dma_wait3A_59 : memref<125x80xi32, #tpu.memory_space<hbm>>) dst(%arg6 : memref<125x80xi32, #tpu.memory_space<vmem>>)
      tpu.yield
    }) : () -> ()
    "tpu.region"() ({
      %run_scoped3A = tpu.sem_alloc : memref<!tpu.dma_semaphore, #tpu.memory_space<semaphore_mem>>
      %dma_start3A = arith.constant 0 : i32
      %dma_start3A_46 = arith.constant 0 : i32
      %dma_start3A_47 = tpu.memref_slice %arg4[%add3A, %dma_start3A, %dma_start3A_46] : memref<32x125x80xi32, #tpu.memory_space<hbm>> -> memref<1x125x80xi32, #tpu.memory_space<hbm>>
      %dma_start3A_48 = tpu.memref_squeeze %dma_start3A_47 : memref<1x125x80xi32, #tpu.memory_space<hbm>> -> memref<125x80xi32, #tpu.memory_space<hbm>>
      %dma_start3A_49 = arith.constant 0 : i32
      %dma_start3A_50 = arith.constant 0 : i32
      %dma_start3A_51 = tpu.memref_slice %arg4[%add3A, %dma_start3A_49, %dma_start3A_50] : memref<32x125x80xi32, #tpu.memory_space<hbm>> -> memref<1x125x80xi32, #tpu.memory_space<hbm>>
      %dma_start3A_52 = tpu.memref_squeeze %dma_start3A_51 : memref<1x125x80xi32, #tpu.memory_space<hbm>> -> memref<125x80xi32, #tpu.memory_space<hbm>>
      tpu.enqueue_dma source(%dma_start3A_52 : memref<125x80xi32, #tpu.memory_space<hbm>>) target(%arg7 : memref<125x80xi32, #tpu.memory_space<vmem>>) target_semaphore(%run_scoped3A : memref<!tpu.dma_semaphore, #tpu.memory_space<semaphore_mem>>)
      %dma_wait3A = arith.constant 0 : i32
      %dma_wait3A_53 = arith.constant 0 : i32
      %dma_wait3A_54 = tpu.memref_slice %arg4[%add3A, %dma_wait3A, %dma_wait3A_53] : memref<32x125x80xi32, #tpu.memory_space<hbm>> -> memref<1x125x80xi32, #tpu.memory_space<hbm>>
      %dma_wait3A_55 = tpu.memref_squeeze %dma_wait3A_54 : memref<1x125x80xi32, #tpu.memory_space<hbm>> -> memref<125x80xi32, #tpu.memory_space<hbm>>
      %dma_wait3A_56 = arith.constant 0 : i32
      %dma_wait3A_57 = arith.constant 0 : i32
      %dma_wait3A_58 = tpu.memref_slice %arg4[%add3A, %dma_wait3A_56, %dma_wait3A_57] : memref<32x125x80xi32, #tpu.memory_space<hbm>> -> memref<1x125x80xi32, #tpu.memory_space<hbm>>
      %dma_wait3A_59 = tpu.memref_squeeze %dma_wait3A_58 : memref<1x125x80xi32, #tpu.memory_space<hbm>> -> memref<125x80xi32, #tpu.memory_space<hbm>>
      tpu.wait_dma2 semaphore(%run_scoped3A : memref<!tpu.dma_semaphore, #tpu.memory_space<semaphore_mem>>) src(%dma_wait3A_59 : memref<125x80xi32, #tpu.memory_space<hbm>>) dst(%arg7 : memref<125x80xi32, #tpu.memory_space<vmem>>)
      tpu.yield
    }) : () -> ()
    %scan3A_19 = arith.constant 0 : i32
    %scan3A_20 = arith.constant 0 : i32
    %scan3A_21 = arith.constant 125 : i32
    %scan3A_22 = arith.addi %scan3A_20, %scan3A_21 : i32
    %scan3A_23 = arith.constant 1 : i32
    scf.for %scan3A_46 = %scan3A_20 to %scan3A_22 step %scan3A_23  : i32 {
      %dma_start3A = arith.constant 0 : i32
      %dma_start3A_47 = tpu.memref_slice %arg6[%scan3A_46, %dma_start3A] : memref<125x80xi32, #tpu.memory_space<vmem>> -> memref<1x80xi32, #tpu.memory_space<vmem>>
      %dma_start3A_48 = tpu.memref_squeeze %dma_start3A_47 : memref<1x80xi32, #tpu.memory_space<vmem>> -> memref<80xi32, #tpu.memory_space<vmem>>
      %dma_start3A_49 = arith.constant 0 : i32
      %dma_start3A_50 = arith.constant 0 : i32
      %dma_start3A_51 = tpu.memref_slice %arg2[%dma_start3A_49, %dma_start3A_50] : memref<10000x64xf32, #tpu.memory_space<hbm>> -> memref<10000x64xf32, #tpu.memory_space<hbm>>
      tpu.enqueue_indirect_dma source(%dma_start3A_51 : memref<10000x64xf32, #tpu.memory_space<hbm>>) target(%arg8 : memref<80x64xf32, #tpu.memory_space<vmem>>) offsets(%dma_start3A_48 : memref<80xi32, #tpu.memory_space<vmem>>) semaphore(%arg11 : memref<!tpu.dma_semaphore, #tpu.memory_space<semaphore_mem>>)
      %dma_wait3A = arith.constant 0 : i32
      %dma_wait3A_52 = tpu.memref_slice %arg6[%scan3A_46, %dma_wait3A] : memref<125x80xi32, #tpu.memory_space<vmem>> -> memref<1x80xi32, #tpu.memory_space<vmem>>
      %dma_wait3A_53 = tpu.memref_squeeze %dma_wait3A_52 : memref<1x80xi32, #tpu.memory_space<vmem>> -> memref<80xi32, #tpu.memory_space<vmem>>
      %dma_wait3A_54 = arith.constant 0 : i32
      %dma_wait3A_55 = arith.constant 0 : i32
      %dma_wait3A_56 = tpu.memref_slice %arg2[%dma_wait3A_54, %dma_wait3A_55] : memref<10000x64xf32, #tpu.memory_space<hbm>> -> memref<10000x64xf32, #tpu.memory_space<hbm>>
      tpu.wait_indirect_dma semaphore(%arg11 : memref<!tpu.dma_semaphore, #tpu.memory_space<semaphore_mem>>) src(%dma_wait3A_56 : memref<10000x64xf32, #tpu.memory_space<hbm>>) dst(%arg8 : memref<80x64xf32, #tpu.memory_space<vmem>>)
      "tpu.region"() ({
        %run_scoped3A = tpu.sem_alloc : memref<!tpu.dma_semaphore, #tpu.memory_space<semaphore_mem>>
        %dma_start3A_57 = arith.constant 0 : i32
        %dma_start3A_58 = tpu.memref_slice %arg7[%scan3A_46, %dma_start3A_57] : memref<125x80xi32, #tpu.memory_space<vmem>> -> memref<1x80xi32, #tpu.memory_space<vmem>>
        %dma_start3A_59 = tpu.memref_squeeze %dma_start3A_58 : memref<1x80xi32, #tpu.memory_space<vmem>> -> memref<80xi32, #tpu.memory_space<vmem>>
        %dma_start3A_60 = arith.constant 0 : i32
        %dma_start3A_61 = arith.constant 0 : i32
        %dma_start3A_62 = tpu.memref_slice %arg10[%dma_start3A_60, %dma_start3A_61] : memref<10240x64xf32, #tpu.memory_space<vmem_shared>> -> memref<10240x64xf32, #tpu.memory_space<vmem_shared>>
        tpu.enqueue_indirect_dma source(%arg8 : memref<80x64xf32, #tpu.memory_space<vmem>>) target(%dma_start3A_62 : memref<10240x64xf32, #tpu.memory_space<vmem_shared>>) offsets(%dma_start3A_59 : memref<80xi32, #tpu.memory_space<vmem>>) semaphore(%run_scoped3A : memref<!tpu.dma_semaphore, #tpu.memory_space<semaphore_mem>>) {add = true}
        %dma_wait3A_63 = arith.constant 0 : i32
        %dma_wait3A_64 = tpu.memref_slice %arg7[%scan3A_46, %dma_wait3A_63] : memref<125x80xi32, #tpu.memory_space<vmem>> -> memref<1x80xi32, #tpu.memory_space<vmem>>
        %dma_wait3A_65 = tpu.memref_squeeze %dma_wait3A_64 : memref<1x80xi32, #tpu.memory_space<vmem>> -> memref<80xi32, #tpu.memory_space<vmem>>
        %dma_wait3A_66 = arith.constant 0 : i32
        %dma_wait3A_67 = arith.constant 0 : i32
        %dma_wait3A_68 = tpu.memref_slice %arg10[%dma_wait3A_66, %dma_wait3A_67] : memref<10240x64xf32, #tpu.memory_space<vmem_shared>> -> memref<10240x64xf32, #tpu.memory_space<vmem_shared>>
        tpu.wait_indirect_dma semaphore(%run_scoped3A : memref<!tpu.dma_semaphore, #tpu.memory_space<semaphore_mem>>) src(%arg8 : memref<80x64xf32, #tpu.memory_space<vmem>>) dst(%dma_wait3A_68 : memref<10240x64xf32, #tpu.memory_space<vmem_shared>>)
        tpu.yield
      }) : () -> ()
    }
    %scan3A_24 = arith.constant 125 : i32
    %barrier3A_25 = arith.constant 0 : index
    tpu.barrier barrier_id(%barrier3A_25)
    %add3A_26 = arith.constant 0 : i32
    %add3A_27 = arith.addi %mul3A_2, %add3A_26 : i32
    "tpu.region"() ({
      %run_scoped3A = tpu.sem_alloc : memref<!tpu.dma_semaphore, #tpu.memory_space<semaphore_mem>>
      %dma_start3A = arith.constant 0 : i32
      %dma_start3A_46 = tpu.memref_slice %arg10[%add3A_27, %dma_start3A] : memref<10240x64xf32, #tpu.memory_space<vmem_shared>> -> memref<128x64xf32, #tpu.memory_space<vmem_shared>>
      %dma_start3A_47 = arith.constant 0 : i32
      %dma_start3A_48 = tpu.memref_slice %arg10[%add3A_27, %dma_start3A_47] : memref<10240x64xf32, #tpu.memory_space<vmem_shared>> -> memref<128x64xf32, #tpu.memory_space<vmem_shared>>
      tpu.enqueue_dma source(%dma_start3A_48 : memref<128x64xf32, #tpu.memory_space<vmem_shared>>) target(%arg9 : memref<128x64xf32, #tpu.memory_space<vmem>>) target_semaphore(%run_scoped3A : memref<!tpu.dma_semaphore, #tpu.memory_space<semaphore_mem>>)
      %dma_wait3A = arith.constant 0 : i32
      %dma_wait3A_49 = tpu.memref_slice %arg10[%add3A_27, %dma_wait3A] : memref<10240x64xf32, #tpu.memory_space<vmem_shared>> -> memref<128x64xf32, #tpu.memory_space<vmem_shared>>
      %dma_wait3A_50 = arith.constant 0 : i32
      %dma_wait3A_51 = tpu.memref_slice %arg10[%add3A_27, %dma_wait3A_50] : memref<10240x64xf32, #tpu.memory_space<vmem_shared>> -> memref<128x64xf32, #tpu.memory_space<vmem_shared>>
      tpu.wait_dma2 semaphore(%run_scoped3A : memref<!tpu.dma_semaphore, #tpu.memory_space<semaphore_mem>>) src(%dma_wait3A_51 : memref<128x64xf32, #tpu.memory_space<vmem_shared>>) dst(%arg9 : memref<128x64xf32, #tpu.memory_space<vmem>>)
      tpu.yield
    }) : () -> ()
    %add3A_28 = arith.constant 0 : i32
    %add3A_29 = arith.addi %mul3A_2, %add3A_28 : i32
    "tpu.region"() ({
      %run_scoped3A = tpu.sem_alloc : memref<!tpu.dma_semaphore, #tpu.memory_space<semaphore_mem>>
      %dma_start3A = arith.constant 0 : i32
      %dma_start3A_46 = tpu.memref_slice %arg5[%arg0, %add3A_29, %dma_start3A] : memref<2x10240x64xf32, #tpu.memory_space<hbm>> -> memref<1x128x64xf32, #tpu.memory_space<hbm>>
      %dma_start3A_47 = tpu.memref_squeeze %dma_start3A_46 : memref<1x128x64xf32, #tpu.memory_space<hbm>> -> memref<128x64xf32, #tpu.memory_space<hbm>>
      %dma_start3A_48 = arith.constant 0 : i32
      %dma_start3A_49 = tpu.memref_slice %arg5[%arg0, %add3A_29, %dma_start3A_48] : memref<2x10240x64xf32, #tpu.memory_space<hbm>> -> memref<1x128x64xf32, #tpu.memory_space<hbm>>
      %dma_start3A_50 = tpu.memref_squeeze %dma_start3A_49 : memref<1x128x64xf32, #tpu.memory_space<hbm>> -> memref<128x64xf32, #tpu.memory_space<hbm>>
      tpu.enqueue_dma source(%arg9 : memref<128x64xf32, #tpu.memory_space<vmem>>) target(%dma_start3A_50 : memref<128x64xf32, #tpu.memory_space<hbm>>) target_semaphore(%run_scoped3A : memref<!tpu.dma_semaphore, #tpu.memory_space<semaphore_mem>>)
      %dma_wait3A = arith.constant 0 : i32
      %dma_wait3A_51 = tpu.memref_slice %arg5[%arg0, %add3A_29, %dma_wait3A] : memref<2x10240x64xf32, #tpu.memory_space<hbm>> -> memref<1x128x64xf32, #tpu.memory_space<hbm>>
      %dma_wait3A_52 = tpu.memref_squeeze %dma_wait3A_51 : memref<1x128x64xf32, #tpu.memory_space<hbm>> -> memref<128x64xf32, #tpu.memory_space<hbm>>
      %dma_wait3A_53 = arith.constant 0 : i32
      %dma_wait3A_54 = tpu.memref_slice %arg5[%arg0, %add3A_29, %dma_wait3A_53] : memref<2x10240x64xf32, #tpu.memory_space<hbm>> -> memref<1x128x64xf32, #tpu.memory_space<hbm>>
      %dma_wait3A_55 = tpu.memref_squeeze %dma_wait3A_54 : memref<1x128x64xf32, #tpu.memory_space<hbm>> -> memref<128x64xf32, #tpu.memory_space<hbm>>
      tpu.wait_dma2 semaphore(%run_scoped3A : memref<!tpu.dma_semaphore, #tpu.memory_space<semaphore_mem>>) src(%arg9 : memref<128x64xf32, #tpu.memory_space<vmem>>) dst(%dma_wait3A_55 : memref<128x64xf32, #tpu.memory_space<hbm>>)
      tpu.yield
    }) : () -> ()
    %add3A_30 = arith.constant 128 : i32
    %add3A_31 = arith.addi %mul3A_2, %add3A_30 : i32
    "tpu.region"() ({
      %run_scoped3A = tpu.sem_alloc : memref<!tpu.dma_semaphore, #tpu.memory_space<semaphore_mem>>
      %dma_start3A = arith.constant 0 : i32
      %dma_start3A_46 = tpu.memref_slice %arg10[%add3A_31, %dma_start3A] : memref<10240x64xf32, #tpu.memory_space<vmem_shared>> -> memref<128x64xf32, #tpu.memory_space<vmem_shared>>
      %dma_start3A_47 = arith.constant 0 : i32
      %dma_start3A_48 = tpu.memref_slice %arg10[%add3A_31, %dma_start3A_47] : memref<10240x64xf32, #tpu.memory_space<vmem_shared>> -> memref<128x64xf32, #tpu.memory_space<vmem_shared>>
      tpu.enqueue_dma source(%dma_start3A_48 : memref<128x64xf32, #tpu.memory_space<vmem_shared>>) target(%arg9 : memref<128x64xf32, #tpu.memory_space<vmem>>) target_semaphore(%run_scoped3A : memref<!tpu.dma_semaphore, #tpu.memory_space<semaphore_mem>>)
      %dma_wait3A = arith.constant 0 : i32
      %dma_wait3A_49 = tpu.memref_slice %arg10[%add3A_31, %dma_wait3A] : memref<10240x64xf32, #tpu.memory_space<vmem_shared>> -> memref<128x64xf32, #tpu.memory_space<vmem_shared>>
      %dma_wait3A_50 = arith.constant 0 : i32
      %dma_wait3A_51 = tpu.memref_slice %arg10[%add3A_31, %dma_wait3A_50] : memref<10240x64xf32, #tpu.memory_space<vmem_shared>> -> memref<128x64xf32, #tpu.memory_space<vmem_shared>>
      tpu.wait_dma2 semaphore(%run_scoped3A : memref<!tpu.dma_semaphore, #tpu.memory_space<semaphore_mem>>) src(%dma_wait3A_51 : memref<128x64xf32, #tpu.memory_space<vmem_shared>>) dst(%arg9 : memref<128x64xf32, #tpu.memory_space<vmem>>)
      tpu.yield
    }) : () -> ()
    %add3A_32 = arith.constant 128 : i32
    %add3A_33 = arith.addi %mul3A_2, %add3A_32 : i32
    "tpu.region"() ({
      %run_scoped3A = tpu.sem_alloc : memref<!tpu.dma_semaphore, #tpu.memory_space<semaphore_mem>>
      %dma_start3A = arith.constant 0 : i32
      %dma_start3A_46 = tpu.memref_slice %arg5[%arg0, %add3A_33, %dma_start3A] : memref<2x10240x64xf32, #tpu.memory_space<hbm>> -> memref<1x128x64xf32, #tpu.memory_space<hbm>>
      %dma_start3A_47 = tpu.memref_squeeze %dma_start3A_46 : memref<1x128x64xf32, #tpu.memory_space<hbm>> -> memref<128x64xf32, #tpu.memory_space<hbm>>
      %dma_start3A_48 = arith.constant 0 : i32
      %dma_start3A_49 = tpu.memref_slice %arg5[%arg0, %add3A_33, %dma_start3A_48] : memref<2x10240x64xf32, #tpu.memory_space<hbm>> -> memref<1x128x64xf32, #tpu.memory_space<hbm>>
      %dma_start3A_50 = tpu.memref_squeeze %dma_start3A_49 : memref<1x128x64xf32, #tpu.memory_space<hbm>> -> memref<128x64xf32, #tpu.memory_space<hbm>>
      tpu.enqueue_dma source(%arg9 : memref<128x64xf32, #tpu.memory_space<vmem>>) target(%dma_start3A_50 : memref<128x64xf32, #tpu.memory_space<hbm>>) target_semaphore(%run_scoped3A : memref<!tpu.dma_semaphore, #tpu.memory_space<semaphore_mem>>)
      %dma_wait3A = arith.constant 0 : i32
      %dma_wait3A_51 = tpu.memref_slice %arg5[%arg0, %add3A_33, %dma_wait3A] : memref<2x10240x64xf32, #tpu.memory_space<hbm>> -> memref<1x128x64xf32, #tpu.memory_space<hbm>>
      %dma_wait3A_52 = tpu.memref_squeeze %dma_wait3A_51 : memref<1x128x64xf32, #tpu.memory_space<hbm>> -> memref<128x64xf32, #tpu.memory_space<hbm>>
      %dma_wait3A_53 = arith.constant 0 : i32
      %dma_wait3A_54 = tpu.memref_slice %arg5[%arg0, %add3A_33, %dma_wait3A_53] : memref<2x10240x64xf32, #tpu.memory_space<hbm>> -> memref<1x128x64xf32, #tpu.memory_space<hbm>>
      %dma_wait3A_55 = tpu.memref_squeeze %dma_wait3A_54 : memref<1x128x64xf32, #tpu.memory_space<hbm>> -> memref<128x64xf32, #tpu.memory_space<hbm>>
      tpu.wait_dma2 semaphore(%run_scoped3A : memref<!tpu.dma_semaphore, #tpu.memory_space<semaphore_mem>>) src(%arg9 : memref<128x64xf32, #tpu.memory_space<vmem>>) dst(%dma_wait3A_55 : memref<128x64xf32, #tpu.memory_space<hbm>>)
      tpu.yield
    }) : () -> ()
    %add3A_34 = arith.constant 256 : i32
    %add3A_35 = arith.addi %mul3A_2, %add3A_34 : i32
    "tpu.region"() ({
      %run_scoped3A = tpu.sem_alloc : memref<!tpu.dma_semaphore, #tpu.memory_space<semaphore_mem>>
      %dma_start3A = arith.constant 0 : i32
      %dma_start3A_46 = tpu.memref_slice %arg10[%add3A_35, %dma_start3A] : memref<10240x64xf32, #tpu.memory_space<vmem_shared>> -> memref<128x64xf32, #tpu.memory_space<vmem_shared>>
      %dma_start3A_47 = arith.constant 0 : i32
      %dma_start3A_48 = tpu.memref_slice %arg10[%add3A_35, %dma_start3A_47] : memref<10240x64xf32, #tpu.memory_space<vmem_shared>> -> memref<128x64xf32, #tpu.memory_space<vmem_shared>>
      tpu.enqueue_dma source(%dma_start3A_48 : memref<128x64xf32, #tpu.memory_space<vmem_shared>>) target(%arg9 : memref<128x64xf32, #tpu.memory_space<vmem>>) target_semaphore(%run_scoped3A : memref<!tpu.dma_semaphore, #tpu.memory_space<semaphore_mem>>)
      %dma_wait3A = arith.constant 0 : i32
      %dma_wait3A_49 = tpu.memref_slice %arg10[%add3A_35, %dma_wait3A] : memref<10240x64xf32, #tpu.memory_space<vmem_shared>> -> memref<128x64xf32, #tpu.memory_space<vmem_shared>>
      %dma_wait3A_50 = arith.constant 0 : i32
      %dma_wait3A_51 = tpu.memref_slice %arg10[%add3A_35, %dma_wait3A_50] : memref<10240x64xf32, #tpu.memory_space<vmem_shared>> -> memref<128x64xf32, #tpu.memory_space<vmem_shared>>
      tpu.wait_dma2 semaphore(%run_scoped3A : memref<!tpu.dma_semaphore, #tpu.memory_space<semaphore_mem>>) src(%dma_wait3A_51 : memref<128x64xf32, #tpu.memory_space<vmem_shared>>) dst(%arg9 : memref<128x64xf32, #tpu.memory_space<vmem>>)
      tpu.yield
    }) : () -> ()
    %add3A_36 = arith.constant 256 : i32
    %add3A_37 = arith.addi %mul3A_2, %add3A_36 : i32
    "tpu.region"() ({
      %run_scoped3A = tpu.sem_alloc : memref<!tpu.dma_semaphore, #tpu.memory_space<semaphore_mem>>
      %dma_start3A = arith.constant 0 : i32
      %dma_start3A_46 = tpu.memref_slice %arg5[%arg0, %add3A_37, %dma_start3A] : memref<2x10240x64xf32, #tpu.memory_space<hbm>> -> memref<1x128x64xf32, #tpu.memory_space<hbm>>
      %dma_start3A_47 = tpu.memref_squeeze %dma_start3A_46 : memref<1x128x64xf32, #tpu.memory_space<hbm>> -> memref<128x64xf32, #tpu.memory_space<hbm>>
      %dma_start3A_48 = arith.constant 0 : i32
      %dma_start3A_49 = tpu.memref_slice %arg5[%arg0, %add3A_37, %dma_start3A_48] : memref<2x10240x64xf32, #tpu.memory_space<hbm>> -> memref<1x128x64xf32, #tpu.memory_space<hbm>>
      %dma_start3A_50 = tpu.memref_squeeze %dma_start3A_49 : memref<1x128x64xf32, #tpu.memory_space<hbm>> -> memref<128x64xf32, #tpu.memory_space<hbm>>
      tpu.enqueue_dma source(%arg9 : memref<128x64xf32, #tpu.memory_space<vmem>>) target(%dma_start3A_50 : memref<128x64xf32, #tpu.memory_space<hbm>>) target_semaphore(%run_scoped3A : memref<!tpu.dma_semaphore, #tpu.memory_space<semaphore_mem>>)
      %dma_wait3A = arith.constant 0 : i32
      %dma_wait3A_51 = tpu.memref_slice %arg5[%arg0, %add3A_37, %dma_wait3A] : memref<2x10240x64xf32, #tpu.memory_space<hbm>> -> memref<1x128x64xf32, #tpu.memory_space<hbm>>
      %dma_wait3A_52 = tpu.memref_squeeze %dma_wait3A_51 : memref<1x128x64xf32, #tpu.memory_space<hbm>> -> memref<128x64xf32, #tpu.memory_space<hbm>>
      %dma_wait3A_53 = arith.constant 0 : i32
      %dma_wait3A_54 = tpu.memref_slice %arg5[%arg0, %add3A_37, %dma_wait3A_53] : memref<2x10240x64xf32, #tpu.memory_space<hbm>> -> memref<1x128x64xf32, #tpu.memory_space<hbm>>
      %dma_wait3A_55 = tpu.memref_squeeze %dma_wait3A_54 : memref<1x128x64xf32, #tpu.memory_space<hbm>> -> memref<128x64xf32, #tpu.memory_space<hbm>>
      tpu.wait_dma2 semaphore(%run_scoped3A : memref<!tpu.dma_semaphore, #tpu.memory_space<semaphore_mem>>) src(%arg9 : memref<128x64xf32, #tpu.memory_space<vmem>>) dst(%dma_wait3A_55 : memref<128x64xf32, #tpu.memory_space<hbm>>)
      tpu.yield
    }) : () -> ()
    %add3A_38 = arith.constant 384 : i32
    %add3A_39 = arith.addi %mul3A_2, %add3A_38 : i32
    "tpu.region"() ({
      %run_scoped3A = tpu.sem_alloc : memref<!tpu.dma_semaphore, #tpu.memory_space<semaphore_mem>>
      %dma_start3A = arith.constant 0 : i32
      %dma_start3A_46 = tpu.memref_slice %arg10[%add3A_39, %dma_start3A] : memref<10240x64xf32, #tpu.memory_space<vmem_shared>> -> memref<128x64xf32, #tpu.memory_space<vmem_shared>>
      %dma_start3A_47 = arith.constant 0 : i32
      %dma_start3A_48 = tpu.memref_slice %arg10[%add3A_39, %dma_start3A_47] : memref<10240x64xf32, #tpu.memory_space<vmem_shared>> -> memref<128x64xf32, #tpu.memory_space<vmem_shared>>
      tpu.enqueue_dma source(%dma_start3A_48 : memref<128x64xf32, #tpu.memory_space<vmem_shared>>) target(%arg9 : memref<128x64xf32, #tpu.memory_space<vmem>>) target_semaphore(%run_scoped3A : memref<!tpu.dma_semaphore, #tpu.memory_space<semaphore_mem>>)
      %dma_wait3A = arith.constant 0 : i32
      %dma_wait3A_49 = tpu.memref_slice %arg10[%add3A_39, %dma_wait3A] : memref<10240x64xf32, #tpu.memory_space<vmem_shared>> -> memref<128x64xf32, #tpu.memory_space<vmem_shared>>
      %dma_wait3A_50 = arith.constant 0 : i32
      %dma_wait3A_51 = tpu.memref_slice %arg10[%add3A_39, %dma_wait3A_50] : memref<10240x64xf32, #tpu.memory_space<vmem_shared>> -> memref<128x64xf32, #tpu.memory_space<vmem_shared>>
      tpu.wait_dma2 semaphore(%run_scoped3A : memref<!tpu.dma_semaphore, #tpu.memory_space<semaphore_mem>>) src(%dma_wait3A_51 : memref<128x64xf32, #tpu.memory_space<vmem_shared>>) dst(%arg9 : memref<128x64xf32, #tpu.memory_space<vmem>>)
      tpu.yield
    }) : () -> ()
    %add3A_40 = arith.constant 384 : i32
    %add3A_41 = arith.addi %mul3A_2, %add3A_40 : i32
    "tpu.region"() ({
      %run_scoped3A = tpu.sem_alloc : memref<!tpu.dma_semaphore, #tpu.memory_space<semaphore_mem>>
      %dma_start3A = arith.constant 0 : i32
      %dma_start3A_46 = tpu.memref_slice %arg5[%arg0, %add3A_41, %dma_start3A] : memref<2x10240x64xf32, #tpu.memory_space<hbm>> -> memref<1x128x64xf32, #tpu.memory_space<hbm>>
      %dma_start3A_47 = tpu.memref_squeeze %dma_start3A_46 : memref<1x128x64xf32, #tpu.memory_space<hbm>> -> memref<128x64xf32, #tpu.memory_space<hbm>>
      %dma_start3A_48 = arith.constant 0 : i32
      %dma_start3A_49 = tpu.memref_slice %arg5[%arg0, %add3A_41, %dma_start3A_48] : memref<2x10240x64xf32, #tpu.memory_space<hbm>> -> memref<1x128x64xf32, #tpu.memory_space<hbm>>
      %dma_start3A_50 = tpu.memref_squeeze %dma_start3A_49 : memref<1x128x64xf32, #tpu.memory_space<hbm>> -> memref<128x64xf32, #tpu.memory_space<hbm>>
      tpu.enqueue_dma source(%arg9 : memref<128x64xf32, #tpu.memory_space<vmem>>) target(%dma_start3A_50 : memref<128x64xf32, #tpu.memory_space<hbm>>) target_semaphore(%run_scoped3A : memref<!tpu.dma_semaphore, #tpu.memory_space<semaphore_mem>>)
      %dma_wait3A = arith.constant 0 : i32
      %dma_wait3A_51 = tpu.memref_slice %arg5[%arg0, %add3A_41, %dma_wait3A] : memref<2x10240x64xf32, #tpu.memory_space<hbm>> -> memref<1x128x64xf32, #tpu.memory_space<hbm>>
      %dma_wait3A_52 = tpu.memref_squeeze %dma_wait3A_51 : memref<1x128x64xf32, #tpu.memory_space<hbm>> -> memref<128x64xf32, #tpu.memory_space<hbm>>
      %dma_wait3A_53 = arith.constant 0 : i32
      %dma_wait3A_54 = tpu.memref_slice %arg5[%arg0, %add3A_41, %dma_wait3A_53] : memref<2x10240x64xf32, #tpu.memory_space<hbm>> -> memref<1x128x64xf32, #tpu.memory_space<hbm>>
      %dma_wait3A_55 = tpu.memref_squeeze %dma_wait3A_54 : memref<1x128x64xf32, #tpu.memory_space<hbm>> -> memref<128x64xf32, #tpu.memory_space<hbm>>
      tpu.wait_dma2 semaphore(%run_scoped3A : memref<!tpu.dma_semaphore, #tpu.memory_space<semaphore_mem>>) src(%arg9 : memref<128x64xf32, #tpu.memory_space<vmem>>) dst(%dma_wait3A_55 : memref<128x64xf32, #tpu.memory_space<hbm>>)
      tpu.yield
    }) : () -> ()
    %add3A_42 = arith.constant 512 : i32
    %add3A_43 = arith.addi %mul3A_2, %add3A_42 : i32
    "tpu.region"() ({
      %run_scoped3A = tpu.sem_alloc : memref<!tpu.dma_semaphore, #tpu.memory_space<semaphore_mem>>
      %dma_start3A = arith.constant 0 : i32
      %dma_start3A_46 = tpu.memref_slice %arg10[%add3A_43, %dma_start3A] : memref<10240x64xf32, #tpu.memory_space<vmem_shared>> -> memref<128x64xf32, #tpu.memory_space<vmem_shared>>
      %dma_start3A_47 = arith.constant 0 : i32
      %dma_start3A_48 = tpu.memref_slice %arg10[%add3A_43, %dma_start3A_47] : memref<10240x64xf32, #tpu.memory_space<vmem_shared>> -> memref<128x64xf32, #tpu.memory_space<vmem_shared>>
      tpu.enqueue_dma source(%dma_start3A_48 : memref<128x64xf32, #tpu.memory_space<vmem_shared>>) target(%arg9 : memref<128x64xf32, #tpu.memory_space<vmem>>) target_semaphore(%run_scoped3A : memref<!tpu.dma_semaphore, #tpu.memory_space<semaphore_mem>>)
      %dma_wait3A = arith.constant 0 : i32
      %dma_wait3A_49 = tpu.memref_slice %arg10[%add3A_43, %dma_wait3A] : memref<10240x64xf32, #tpu.memory_space<vmem_shared>> -> memref<128x64xf32, #tpu.memory_space<vmem_shared>>
      %dma_wait3A_50 = arith.constant 0 : i32
      %dma_wait3A_51 = tpu.memref_slice %arg10[%add3A_43, %dma_wait3A_50] : memref<10240x64xf32, #tpu.memory_space<vmem_shared>> -> memref<128x64xf32, #tpu.memory_space<vmem_shared>>
      tpu.wait_dma2 semaphore(%run_scoped3A : memref<!tpu.dma_semaphore, #tpu.memory_space<semaphore_mem>>) src(%dma_wait3A_51 : memref<128x64xf32, #tpu.memory_space<vmem_shared>>) dst(%arg9 : memref<128x64xf32, #tpu.memory_space<vmem>>)
      tpu.yield
    }) : () -> ()
    %add3A_44 = arith.constant 512 : i32
    %add3A_45 = arith.addi %mul3A_2, %add3A_44 : i32
    "tpu.region"() ({
      %run_scoped3A = tpu.sem_alloc : memref<!tpu.dma_semaphore, #tpu.memory_space<semaphore_mem>>
      %dma_start3A = arith.constant 0 : i32
      %dma_start3A_46 = tpu.memref_slice %arg5[%arg0, %add3A_45, %dma_start3A] : memref<2x10240x64xf32, #tpu.memory_space<hbm>> -> memref<1x128x64xf32, #tpu.memory_space<hbm>>
      %dma_start3A_47 = tpu.memref_squeeze %dma_start3A_46 : memref<1x128x64xf32, #tpu.memory_space<hbm>> -> memref<128x64xf32, #tpu.memory_space<hbm>>
      %dma_start3A_48 = arith.constant 0 : i32
      %dma_start3A_49 = tpu.memref_slice %arg5[%arg0, %add3A_45, %dma_start3A_48] : memref<2x10240x64xf32, #tpu.memory_space<hbm>> -> memref<1x128x64xf32, #tpu.memory_space<hbm>>
      %dma_start3A_50 = tpu.memref_squeeze %dma_start3A_49 : memref<1x128x64xf32, #tpu.memory_space<hbm>> -> memref<128x64xf32, #tpu.memory_space<hbm>>
      tpu.enqueue_dma source(%arg9 : memref<128x64xf32, #tpu.memory_space<vmem>>) target(%dma_start3A_50 : memref<128x64xf32, #tpu.memory_space<hbm>>) target_semaphore(%run_scoped3A : memref<!tpu.dma_semaphore, #tpu.memory_space<semaphore_mem>>)
      %dma_wait3A = arith.constant 0 : i32
      %dma_wait3A_51 = tpu.memref_slice %arg5[%arg0, %add3A_45, %dma_wait3A] : memref<2x10240x64xf32, #tpu.memory_space<hbm>> -> memref<1x128x64xf32, #tpu.memory_space<hbm>>
      %dma_wait3A_52 = tpu.memref_squeeze %dma_wait3A_51 : memref<1x128x64xf32, #tpu.memory_space<hbm>> -> memref<128x64xf32, #tpu.memory_space<hbm>>
      %dma_wait3A_53 = arith.constant 0 : i32
      %dma_wait3A_54 = tpu.memref_slice %arg5[%arg0, %add3A_45, %dma_wait3A_53] : memref<2x10240x64xf32, #tpu.memory_space<hbm>> -> memref<1x128x64xf32, #tpu.memory_space<hbm>>
      %dma_wait3A_55 = tpu.memref_squeeze %dma_wait3A_54 : memref<1x128x64xf32, #tpu.memory_space<hbm>> -> memref<128x64xf32, #tpu.memory_space<hbm>>
      tpu.wait_dma2 semaphore(%run_scoped3A : memref<!tpu.dma_semaphore, #tpu.memory_space<semaphore_mem>>) src(%arg9 : memref<128x64xf32, #tpu.memory_space<vmem>>) dst(%dma_wait3A_55 : memref<128x64xf32, #tpu.memory_space<hbm>>)
      tpu.yield
    }) : () -> ()
    return
  }
}

module attributes {stable_mosaic.version = 14 : i64} {
  func.func @_tc1_body(%arg0: memref<10000x128xf32, #tpu.memory_space<vmem>>, %arg1: memref<64x128xf32, #tpu.memory_space<vmem>>, %arg2: memref<10000x80xf32, #tpu.memory_space<vmem>>) attributes {dimension_semantics = [], scalar_prefetch = 0 : i64, scratch_operands = 0 : i64, tpu.core_type = #tpu.core_type<tc>} {
    %get3A = arith.constant 0 : index
    %get3A_0 = arith.constant 0 : index
    %get3A_1 = vector.load %arg0[%get3A, %get3A_0] : memref<10000x128xf32, #tpu.memory_space<vmem>>, vector<10000x128xf32>
    %get3A_2 = arith.constant 0 : index
    %get3A_3 = arith.constant 0 : index
    %get3A_4 = vector.load %arg1[%get3A_2, %get3A_3] : memref<64x128xf32, #tpu.memory_space<vmem>>, vector<64x128xf32>
    %dot_general3A = arith.constant dense<0.000000e+00> : vector<10000x64xf32>
    %dot_general3A_5 = tpu.matmul %get3A_1, %get3A_4, %dot_general3A {dimension_numbers = #tpu.dot_dimension_numbers<[1], [1], [0], [0], [0, 0, 1, 0], [], []>, transpose_lhs_hint = false} : vector<10000x128xf32>, vector<64x128xf32>, vector<10000x64xf32> -> vector<10000x64xf32>
    %iota3A = tpu.iota {dimensions = array<i32: 1>} : vector<10000x16xi32>
    %eq3A = arith.constant 0 : i32
    %eq3A_6 = vector.broadcast %eq3A : i32 to vector<10000x16xi32>
    %eq3A_7 = arith.cmpi eq, %iota3A, %eq3A_6 : vector<10000x16xi32>
    %convert_element_type3A = arith.extui %eq3A_7 : vector<10000x16xi1> to vector<10000x16xi32>
    %convert_element_type3A_8 = arith.sitofp %convert_element_type3A : vector<10000x16xi32> to vector<10000x16xf32>
    %concatenate3A = tpu.concatenate %dot_general3A_5, %convert_element_type3A_8 in 1 : vector<10000x64xf32>, vector<10000x16xf32> -> vector<10000x80xf32>
    %swap3A = arith.constant 0 : index
    %swap3A_9 = arith.constant 0 : index
    %swap3A_10 = vector.load %arg2[%swap3A, %swap3A_9] : memref<10000x80xf32, #tpu.memory_space<vmem>>, vector<10000x80xf32>
    tpu.vector_store %arg2[%swap3A, %swap3A_9], %concatenate3A {strides = array<i32>} : memref<10000x80xf32, #tpu.memory_space<vmem>>, vector<10000x80xf32>,
    return
  }
}

module attributes {stable_mosaic.version = 14 : i64} {
  func.func @_tc2_body(%arg0: memref<2x10240x80xf32, #tpu.memory_space<vmem>>, %arg1: memref<10000x128xf32, #tpu.memory_space<vmem>>, %arg2: memref<64x128xf32, #tpu.memory_space<vmem>>, %arg3: memref<1x64xf32, #tpu.memory_space<vmem>>, %arg4: memref<10000x64xf32, #tpu.memory_space<vmem>>) attributes {dimension_semantics = [], scalar_prefetch = 0 : i64, scratch_operands = 0 : i64, tpu.core_type = #tpu.core_type<tc>} {
    %get3A = arith.constant 0 : index
    %get3A_0 = arith.constant 0 : index
    %get3A_1 = arith.constant 0 : index
    %get3A_2 = vector.load %arg0[%get3A, %get3A_0, %get3A_1] : memref<2x10240x80xf32, #tpu.memory_space<vmem>>, vector<1x10000x80xf32>
    %get3A_3 = vector.shape_cast %get3A_2 : vector<1x10000x80xf32> to vector<10000x80xf32>
    %get3A_4 = arith.constant 1 : index
    %get3A_5 = arith.constant 0 : index
    %get3A_6 = arith.constant 0 : index
    %get3A_7 = vector.load %arg0[%get3A_4, %get3A_5, %get3A_6] : memref<2x10240x80xf32, #tpu.memory_space<vmem>>, vector<1x10000x80xf32>
    %get3A_8 = vector.shape_cast %get3A_7 : vector<1x10000x80xf32> to vector<10000x80xf32>
    %add3A = arith.addf %get3A_3, %get3A_8 : vector<10000x80xf32>
    %slice3A = vector.extract_strided_slice %add3A {offsets = [0, 0], sizes = [10000, 64], strides = [1, 1]} : vector<10000x80xf32> to vector<10000x64xf32>
    %slice3A_9 = vector.extract_strided_slice %add3A {offsets = [0, 64], sizes = [10000, 1], strides = [1, 1]} : vector<10000x80xf32> to vector<10000x1xf32>
    %max3A = arith.constant 1.000000e+00 : f32
    %max3A_10 = vector.broadcast %max3A : f32 to vector<10000x1xf32>
    %max3A_11 = arith.maximumf %slice3A_9, %max3A_10 : vector<10000x1xf32>
    %div3A = vector.broadcast %max3A_11 : vector<10000x1xf32> to vector<10000x64xf32>
    %div3A_12 = arith.divf %slice3A, %div3A : vector<10000x64xf32>
    %get3A_13 = arith.constant 0 : index
    %get3A_14 = arith.constant 0 : index
    %get3A_15 = vector.load %arg3[%get3A_13, %get3A_14] : memref<1x64xf32, #tpu.memory_space<vmem>>, vector<1x64xf32>
    %add3A_16 = vector.broadcast %get3A_15 : vector<1x64xf32> to vector<10000x64xf32>
    %add3A_17 = arith.addf %div3A_12, %add3A_16 : vector<10000x64xf32>
    %get3A_18 = arith.constant 0 : index
    %get3A_19 = arith.constant 0 : index
    %get3A_20 = vector.load %arg1[%get3A_18, %get3A_19] : memref<10000x128xf32, #tpu.memory_space<vmem>>, vector<10000x128xf32>
    %get3A_21 = arith.constant 0 : index
    %get3A_22 = arith.constant 0 : index
    %get3A_23 = vector.load %arg2[%get3A_21, %get3A_22] : memref<64x128xf32, #tpu.memory_space<vmem>>, vector<64x128xf32>
    %dot_general3A = arith.constant dense<0.000000e+00> : vector<10000x64xf32>
    %dot_general3A_24 = tpu.matmul %get3A_20, %get3A_23, %dot_general3A {dimension_numbers = #tpu.dot_dimension_numbers<[1], [1], [0], [0], [0, 0, 1, 0], [], []>, transpose_lhs_hint = false} : vector<10000x128xf32>, vector<64x128xf32>, vector<10000x64xf32> -> vector<10000x64xf32>
    %add3A_25 = arith.addf %add3A_17, %dot_general3A_24 : vector<10000x64xf32>
    %ge3A = arith.constant 0.000000e+00 : f32
    %ge3A_26 = vector.broadcast %ge3A : f32 to vector<10000x64xf32>
    %ge3A_27 = arith.cmpf oge, %add3A_25, %ge3A_26 : vector<10000x64xf32>
    %mul3A = arith.constant 0.00999999977 : f32
    %mul3A_28 = vector.broadcast %mul3A : f32 to vector<10000x64xf32>
    %mul3A_29 = arith.mulf %mul3A_28, %add3A_25 : vector<10000x64xf32>
    %select_n3A = arith.select %ge3A_27, %add3A_25, %mul3A_29 : vector<10000x64xi1>, vector<10000x64xf32>
    %swap3A = arith.constant 0 : index
    %swap3A_30 = arith.constant 0 : index
    %swap3A_31 = vector.load %arg4[%swap3A, %swap3A_30] : memref<10000x64xf32, #tpu.memory_space<vmem>>, vector<10000x64xf32>
    tpu.vector_store %arg4[%swap3A, %swap3A_30], %select_n3A {strides = array<i32>} : memref<10000x64xf32, #tpu.memory_space<vmem>>, vector<10000x64xf32>,
    return
  }
}

module attributes {stable_mosaic.version = 14 : i64} {
  func.func @_tc3_body(%arg0: memref<2x10240x64xf32, #tpu.memory_space<vmem>>, %arg1: memref<2x10240x80xf32, #tpu.memory_space<vmem>>, %arg2: memref<10000x64xf32, #tpu.memory_space<vmem>>, %arg3: memref<128x64xf32, #tpu.memory_space<vmem>>, %arg4: memref<128x64xf32, #tpu.memory_space<vmem>>, %arg5: memref<1x128xf32, #tpu.memory_space<vmem>>, %arg6: memref<10000x128xf32, #tpu.memory_space<vmem>>) attributes {dimension_semantics = [], scalar_prefetch = 0 : i64, scratch_operands = 0 : i64, tpu.core_type = #tpu.core_type<tc>} {
    %get3A = arith.constant 0 : index
    %get3A_0 = arith.constant 0 : index
    %get3A_1 = arith.constant 0 : index
    %get3A_2 = vector.load %arg1[%get3A, %get3A_0, %get3A_1] : memref<2x10240x80xf32, #tpu.memory_space<vmem>>, vector<1x10000x80xf32>
    %get3A_3 = vector.shape_cast %get3A_2 : vector<1x10000x80xf32> to vector<10000x80xf32>
    %get3A_4 = arith.constant 1 : index
    %get3A_5 = arith.constant 0 : index
    %get3A_6 = arith.constant 0 : index
    %get3A_7 = vector.load %arg1[%get3A_4, %get3A_5, %get3A_6] : memref<2x10240x80xf32, #tpu.memory_space<vmem>>, vector<1x10000x80xf32>
    %get3A_8 = vector.shape_cast %get3A_7 : vector<1x10000x80xf32> to vector<10000x80xf32>
    %add3A = arith.addf %get3A_3, %get3A_8 : vector<10000x80xf32>
    %slice3A = vector.extract_strided_slice %add3A {offsets = [0, 64], sizes = [10000, 1], strides = [1, 1]} : vector<10000x80xf32> to vector<10000x1xf32>
    %max3A = arith.constant 1.000000e+00 : f32
    %max3A_9 = vector.broadcast %max3A : f32 to vector<10000x1xf32>
    %max3A_10 = arith.maximumf %slice3A, %max3A_9 : vector<10000x1xf32>
    %get3A_11 = arith.constant 0 : index
    %get3A_12 = arith.constant 0 : index
    %get3A_13 = arith.constant 0 : index
    %get3A_14 = vector.load %arg0[%get3A_11, %get3A_12, %get3A_13] : memref<2x10240x64xf32, #tpu.memory_space<vmem>>, vector<1x10000x64xf32>
    %get3A_15 = vector.shape_cast %get3A_14 : vector<1x10000x64xf32> to vector<10000x64xf32>
    %get3A_16 = arith.constant 1 : index
    %get3A_17 = arith.constant 0 : index
    %get3A_18 = arith.constant 0 : index
    %get3A_19 = vector.load %arg0[%get3A_16, %get3A_17, %get3A_18] : memref<2x10240x64xf32, #tpu.memory_space<vmem>>, vector<1x10000x64xf32>
    %get3A_20 = vector.shape_cast %get3A_19 : vector<1x10000x64xf32> to vector<10000x64xf32>
    %add3A_21 = arith.addf %get3A_15, %get3A_20 : vector<10000x64xf32>
    %div3A = vector.broadcast %max3A_10 : vector<10000x1xf32> to vector<10000x64xf32>
    %div3A_22 = arith.divf %add3A_21, %div3A : vector<10000x64xf32>
    %get3A_23 = arith.constant 0 : index
    %get3A_24 = arith.constant 0 : index
    %get3A_25 = vector.load %arg3[%get3A_23, %get3A_24] : memref<128x64xf32, #tpu.memory_space<vmem>>, vector<128x64xf32>
    %dot_general3A = arith.constant dense<0.000000e+00> : vector<10000x128xf32>
    %dot_general3A_26 = tpu.matmul %div3A_22, %get3A_25, %dot_general3A {dimension_numbers = #tpu.dot_dimension_numbers<[1], [1], [0], [0], [0, 0, 1, 0], [], []>, transpose_lhs_hint = false} : vector<10000x64xf32>, vector<128x64xf32>, vector<10000x128xf32> -> vector<10000x128xf32>
    %get3A_27 = arith.constant 0 : index
    %get3A_28 = arith.constant 0 : index
    %get3A_29 = vector.load %arg5[%get3A_27, %get3A_28] : memref<1x128xf32, #tpu.memory_space<vmem>>, vector<1x128xf32>
    %add3A_30 = vector.broadcast %get3A_29 : vector<1x128xf32> to vector<10000x128xf32>
    %add3A_31 = arith.addf %dot_general3A_26, %add3A_30 : vector<10000x128xf32>
    %get3A_32 = arith.constant 0 : index
    %get3A_33 = arith.constant 0 : index
    %get3A_34 = vector.load %arg2[%get3A_32, %get3A_33] : memref<10000x64xf32, #tpu.memory_space<vmem>>, vector<10000x64xf32>
    %get3A_35 = arith.constant 0 : index
    %get3A_36 = arith.constant 0 : index
    %get3A_37 = vector.load %arg4[%get3A_35, %get3A_36] : memref<128x64xf32, #tpu.memory_space<vmem>>, vector<128x64xf32>
    %dot_general3A_38 = arith.constant dense<0.000000e+00> : vector<10000x128xf32>
    %dot_general3A_39 = tpu.matmul %get3A_34, %get3A_37, %dot_general3A_38 {dimension_numbers = #tpu.dot_dimension_numbers<[1], [1], [0], [0], [0, 0, 1, 0], [], []>, transpose_lhs_hint = false} : vector<10000x64xf32>, vector<128x64xf32>, vector<10000x128xf32> -> vector<10000x128xf32>
    %add3A_40 = arith.addf %add3A_31, %dot_general3A_39 : vector<10000x128xf32>
    %mul3A = arith.mulf %add3A_40, %add3A_40 : vector<10000x128xf32>
    %reduce_sum3A = arith.constant dense<0.000000e+00> : vector<10000xf32>
    %reduce_sum3A_41 = vector.multi_reduction <add>, %mul3A, %reduce_sum3A [1] : vector<10000x128xf32> to vector<10000xf32>
    %broadcast_in_dim3A = vector.shape_cast %reduce_sum3A_41 : vector<10000xf32> to vector<10000x1xf32>
    %sqrt3A = math.sqrt %broadcast_in_dim3A : vector<10000x1xf32>
    %max3A_42 = arith.constant 9.99999996E-13 : f32
    %max3A_43 = vector.broadcast %max3A_42 : f32 to vector<10000x1xf32>
    %max3A_44 = arith.maximumf %sqrt3A, %max3A_43 : vector<10000x1xf32>
    %div3A_45 = vector.broadcast %max3A_44 : vector<10000x1xf32> to vector<10000x128xf32>
    %div3A_46 = arith.divf %add3A_40, %div3A_45 : vector<10000x128xf32>
    %swap3A = arith.constant 0 : index
    %swap3A_47 = arith.constant 0 : index
    %swap3A_48 = vector.load %arg6[%swap3A, %swap3A_47] : memref<10000x128xf32, #tpu.memory_space<vmem>>, vector<10000x128xf32>
    tpu.vector_store %arg6[%swap3A, %swap3A_47], %div3A_46 {strides = array<i32>} : memref<10000x128xf32, #tpu.memory_space<vmem>>, vector<10000x128xf32>,
    return
  }
}

</mosaic_0001>

<sc_bundles>
// kernel: kernel.10.cloned.1.call-start
scs
__scs_entry_jumppad:
0x0: {  	(pc) =	sbr.rel $0x88, $3  }
0x1: {  	(tag) =	ssettag $0x0;
	lr =	simm.s32 $0x1  }
0x2: {  	[smem:$0x3F99] =	sst lr;
	_ =	strace $0xD0000000  }
0x3: {  	_ = 	snop  }
0x4: {  	_ = 	snop  }
0x5: {  	_ = 	snop  }
0x6: {  	_ = 	snop  }
0x7: {  	_ = 	snop  }
__scs_overlays_trampoline_lowered:
0x8: {  	[smem:$0x3FA8] =	sst s0  }
0x9: {  	[smem:$0x3FA9] =	sst s1  }
0xa: {  	[smem:$0x3FAA] =	sst s2  }
0xb: {  	[smem:$0x3FAB] =	sst s3  }
0xc: {  	[smem:$0x3FAC] =	sst s4  }
0xd: {  	[smem:$0x3FAD] =	sst s5  }
0xe: {  	[smem:$0x3FAE] =	sst s6  }
0xf: {  	[smem:$0x3FAF] =	sst s7  }
0x10: {  	[smem:$0x3FB0] =	sst s8  }
0x11: {  	[smem:$0x3FB1] =	sst s9;
	s0 =	simm.s32 @!p0 $0x0  }
0x12: {  	s1 =	sld [smem:$0x3F97];
	s0 =	simm.s32 @p0 $0x1  }
0x13: {  	[smem:$0x3FB2] =	sst s0;
	s0 =	simm.s32 @!p1 $0x0  }
0x14: {  	s2 =	sld [smem:$0x3F96];
	s0 =	simm.s32 @p1 $0x1  }
0x15: {  	[smem:$0x3FB3] =	sst s0;
	s0 =	simm.s32 @!p2 $0x0  }
0x16: {  	s3 =	sld [smem:$0x3FDB];
	s0 =	simm.s32 @p2 $0x1  }
0x17: {  	s4 =	simm.s32 $0x1BF5;
	[smem:$0x3FB5] =	sst s0  }
0x18: {  	s0 =	sld [smem:$0x3F98];
	_ =	swait.ge [sflag:s4], $0x0  }
0x19: {  	s7 =	sld [smem:$0x3F99]  }
0x1a: {  	s8 =	sadd.s32 $0xFFFFE003, lr  }
0x1b: {  	s9 =	sadd.s32 $0xFFFFFEF7, lr;
	s5 =	simm.s32 $0xFFFFFFFF;
	p2 =	slt.u32 s8, $0xFFFFF086  }
0x1c: {  	p1 =	slt.u32 s9, $0xF7A;
	s5 =	simm.s32 @!p2 $0x0  }
0x1d: {  	s5 =	simm.s32 @p1 $0x1;
	p0 =	seq.s32 s7, s2  }
0x1e: {  	s7 =	smul.u32 @!p0 $0xF7A, s2;
	p2 =	seq.s32 @!p0 s5, $0x0  }
0x1f: {  	s9 =	smul.u32 $0xF7A, s1;
	s8 =	simm.s32 @!p0 $0x1BF5;
	p2 =	por !p2, p0  }
0x20: {  	[sflag:s8] =	ssyncset.s32 @!p0 $0xFFFFF086;
	s6 =	sadd.s32 @!p0 s3, s7;
	s7 =	simm.s32 @!p0 $0x108  }
0x21: {  	s3 =	sadd.s32 s3, s9;
	s6 =	sadd.s32 @!p0 $0x88, s6;
	s7 =	simm.s32 @p2 $0x1082  }
0x22: {  	[simem:s7], [sflag:s8] =	dma.local @!p0 [hbm:s6], $0xF7A  }
0x23: {  	s9 =	sor.u32 $0xD0000000, s2;
	s6 =	simm.s32 $0x108;
	_ =	swait.ge @!p0 [sflag:s8], $0x0  }
0x24: {  	s3 =	sadd.s32 $0x88, s3;
	s6 =	simm.s32 @!p1 $0x1082;
	[sflag:s4] =	ssyncset.s32 $0xFFFFF086  }
0x25: {  	[simem:s6], [sflag:s4] =	dma.local [hbm:s3], $0xF7A  }
0x26: {  	[smem:$0x3F99] =	sst s1;
	(tag) =	ssettag s2;
	_ =	strace s9  }
0x27: {  	s1 =	sld [smem:$0x3FA9]  }
0x28: {  	s2 =	sld [smem:$0x3FAA]  }
0x29: {  	s4 =	sld [smem:$0x3FAC]  }
0x2a: {  	p0 =	seq.s32 s5, $0x0;
	s5 =	sld [smem:$0x3FAD]  }
0x2b: {  	s6 =	sld [smem:$0x3FAE]  }
0x2c: {  	s7 =	sld [smem:$0x3FAF]  }
0x2d: {  	s3 =	simm.s32 $0x108;
	s8 =	sld [smem:$0x3FB0]  }
0x2e: {  	s3 =	simm.s32 @!p0 $0x1082;
	s9 =	sld [smem:$0x3FB1]  }
0x2f: {  	lr =	sadd.s32 s0, s3;
	s0 =	sld [smem:$0x3FA8]  }
0x30: {  	s3 =	sld [smem:$0x3FAB]  }
0x31: {  	[smem:$0x3FB4] =	sst s10  }
0x32: {  	s10 =	sld [smem:$0x3FB2];
	_ =	sdelay $0x3  }
0x33: {  	p0 =	seq.s32 s10, $0x1;
	s10 =	sld [smem:$0x3FB4];
	_ =	sdelay $0x3  }
0x34: {  	[smem:$0x3FB4] =	sst s10  }
0x35: {  	s10 =	sld [smem:$0x3FB3];
	_ =	sdelay $0x3  }
0x36: {  	p1 =	seq.s32 s10, $0x1;
	s10 =	sld [smem:$0x3FB4];
	_ =	sdelay $0x3  }
0x37: {  	[smem:$0x3FB4] =	sst s10  }
0x38: {  	s10 =	sld [smem:$0x3FB5]  }
0x39: {  	_ = 	snop;
	(pc) =	sbr.ind lr, $3  }
0x3a: {  	_ = 	snop  }
0x3b: {  	_ = 	snop  }
0x3c: {  	p2 =	seq.s32 s10, $0x1;
	s10 =	sld [smem:$0x3FB4]  }
0x3d: {  	_ =	shalt  }
0x3e: {  	_ =	shalt  }
0x3f: {  	_ =	shalt  }
0x40: {  	_ =	shalt  }
0x41: {  	_ =	shalt  }
0x42: {  	_ =	shalt  }
0x43: {  	_ =	shalt  }
0x44: {  	_ =	shalt  }
0x45: {  	_ =	shalt  }
0x46: {  	_ =	shalt  }
0x47: {  	_ =	shalt  }
0x48: {  	_ =	shalt  }
0x49: {  	_ =	shalt  }
0x4a: {  	_ =	shalt  }
0x4b: {  	_ =	shalt  }
0x4c: {  	_ =	shalt  }
0x4d: {  	_ =	shalt  }
0x4e: {  	_ =	shalt  }
0x4f: {  	_ =	shalt  }
0x50: {  	_ =	shalt  }
0x51: {  	_ =	shalt  }
0x52: {  	_ =	shalt  }
0x53: {  	_ =	shalt  }
0x54: {  	_ =	shalt  }
0x55: {  	_ =	shalt  }
0x56: {  	_ =	shalt  }
0x57: {  	_ =	shalt  }
0x58: {  	_ =	shalt  }
0x59: {  	_ =	shalt  }
0x5a: {  	_ =	shalt  }
0x5b: {  	_ =	shalt  }
0x5c: {  	_ =	shalt  }
0x5d: {  	_ =	shalt  }
0x5e: {  	_ =	shalt  }
0x5f: {  	_ =	shalt  }
0x60: {  	_ =	shalt  }
0x61: {  	_ =	shalt  }
0x62: {  	_ =	shalt  }
0x63: {  	_ =	shalt  }
0x64: {  	_ =	shalt  }
0x65: {  	_ =	shalt  }
0x66: {  	_ =	shalt  }
0x67: {  	_ =	shalt  }
0x68: {  	_ =	shalt  }
0x69: {  	_ =	shalt  }
0x6a: {  	_ =	shalt  }
0x6b: {  	_ =	shalt  }
0x6c: {  	_ =	shalt  }
0x6d: {  	_ =	shalt  }
0x6e: {  	_ =	shalt  }
0x6f: {  	_ =	shalt  }
0x70: {  	_ =	shalt  }
0x71: {  	_ =	shalt  }
0x72: {  	_ =	shalt  }
0x73: {  	_ =	shalt  }
0x74: {  	_ =	shalt  }
0x75: {  	_ =	shalt  }
0x76: {  	_ =	shalt  }
0x77: {  	_ =	shalt  }
0x78: {  	_ =	shalt  }
0x79: {  	_ =	shalt  }
0x7a: {  	_ =	shalt  }
0x7b: {  	_ =	shalt  }
0x7c: {  	_ =	shalt  }
0x7d: {  	_ =	shalt  }
0x7e: {  	_ =	shalt  }
0x7f: {  	_ =	shalt  }
0x80: {  	_ =	shalt  }
0x81: {  	_ =	shalt  }
0x82: {  	_ =	shalt  }
0x83: {  	_ =	shalt  }
0x84: {  	_ =	shalt  }
0x85: {  	_ =	shalt  }
0x86: {  	_ =	shalt  }
0x87: {  	_ =	shalt  }
.Lfunc_end0:
.L_simem_size_0:
called_computation.1_lowered:
.L_overlay_start_0:
0x88: {  	s2 =	sld [smem:$0x3FD9]  }
0x89: {  	s3 =	sld [smem:$0x3FFE];
	_ =	sdelay $0x1  }
0x8a: {  	s1 =	srdreg.scid  }
0x8b: {  	s0 =	sand.u32 $0x1, s1  }
0x8c: {  	s16 =	sshll.u32 s0, $0xA;
	s2 =	sadd.s32 s3, s2  }
0x8d: {  	s2 =	sadd.s32 s2, s16  }
0x8e: {  	[smem:$0x3FC0] =	sst s2  }
0x8f: {  	_ = 	snop  }
0x90: {  	(tm) =	ssettm $0x1  }
0x91: {  	s17 =	sld [smem:$0x3FFB];
	_ =	sdelay $0x3  }
0x92: {  	_ =	strace s17  }
0x93: {  	s2 =	sld [smem:$0x3FFC];
	_ =	sdelay $0x3  }
0x94: {  	_ =	strace s2  }
0x95: {  	s2 =	sld [smem:$0x3FFD];
	_ =	sdelay $0x3  }
0x96: {  	_ =	strace s2  }
0x97: {  	_ =	strace $0x8FFFFFFF  }
0x98: {  	s18 =	sld [smem:$0x3FDB];
	_ =	sdelay $0x1  }
0x99: {  	s19 =	simm.s32 $_scs_section_size  }
0x9a: {  	s4 =	simm.s32 $_size__tile_overlayer_lowered;
	s5 =	simm.s32 $_tile_overlayer_lowered  }
0x9b: {  	s22 =	simm.s32 $0x1BFF;
	s21 =	sshll.u32 s5, $0x1;
	s2 =	sadd.s32 s19, s18  }
0x9c: {  	s6 =	simm.s32 $0x0;
	s20 =	sshll.u32 s4, $0x1;
	s4 =	sadd.s32 s21, s2  }
0x9d: {  	[timem:s6], [sflag:s22] =	dma.local [hbm:s4], s20  }
0x9e: {  	_ =	swait.ge [sflag:s22], s20  }
0x9f: {  	s3 =	ssub.s32 $0x0, s20;
	[sflag:s22] =	ssyncset.done $0x0  }
0xa0: {  	[sflag:s22] =	ssyncadd.s32 s3;
	_ =	sdelay $0x1  }
0xa1: {  	s23 =	simm.s32 $0x1B8B  }
0xa2: {  	_ =	swait.ge [sflag:s23], $0x1  }
0xa3: {  	[sflag:s23] =	ssyncset.done $0x0  }
0xa4: {  	s25 =	simm.s32 $0x1B8E;
	s24 =	sld [smem:$0x3FFE];
	[sflag:s23] =	ssyncadd.s32 $0xFFFFFFFF  }
0xa5: {  	s26 =	simm.s32 $execute0_lowered;
	[smem:$0x3FD2] =	sst s25  }
0xa6: {  	s4 =	sshll.u32 s26, $0x1;
	_ =	strace $0x80000049;
	[dreg:$0x1] =	wrdreg $0xFFFFFFFF  }
0xa7: {  	s28 =	simm.s32 $_size_execute0_lowered;
	s2 =	sadd.s32 s2, s4;
	[dreg:$0x0] =	wrdreg $0x0  }
0xa8: {  	s4 =	sshll.u32 s28, $0x1;
	[dreg:$0x2] =	wrdreg s2  }
0xa9: {  	[dreg:$0x3] =	wrdreg s4  }
0xaa: {  	[dreg:$0x4] =	wrdreg $0xC0  }
0xab: {  	_ =	task [dreg:s6], $0x5FFFF  }
0xac: {  	[dreg:$0x1] =	wrdreg $0xFFFFFFFF  }
0xad: {  	[dreg:$0x0] =	wrdreg $0x60  }
0xae: {  	[dreg:$0x2] =	wrdreg s24  }
0xaf: {  	[dreg:$0x3] =	wrdreg $0x82200  }
0xb0: {  	[dreg:$0x4] =	wrdreg $0x9  }
0xb1: {  	_ =	task.clear_ibuf [dreg:s6], $0x5FFFF;
	_ =	strace $0x90000049  }
0xb2: {  	s29 =	simm.s32 $0x9;
	_ =	strace $0x8000004B  }
0xb3: {  	_ =	swait.ge [sflag:s29], $0x1  }
0xb4: {  	[sflag:s29] =	ssyncadd.s32 $0xFFFFFFFF  }
0xb5: {  	_ =	strace $0x9000004B  }
0xb6: {  	_ =	sfence  }
0xb7: {  	s30 =	sld [smem:$0x0];
	_ =	sdelay $0x2  }
0xb8: {  	s31 =	sshll.u32 s1, $0xD;
	s1 =	sshrl.u32 s1, $0x2  }
0xb9: {  	s3 =	sand.u32 $0x4000, s31;
	s1 =	sadd.s32 s1, s30  }
0xba: {  	s0 =	sor.u32 s3, s0;
	s1 =	sshll.u32 s1, $0x11  }
0xbb: {  	s0 =	sor.u32 s1, s0  }
0xbc: {  	s0 =	sadd.s32 $0x8F2B, s0  }
0xbd: {  	[sflag:s0] =	ssyncadd.remote.s32 $0x1  }
0xbe: {  	_ =	sfence.sel $0xFFFF  }
0xbf: {  	[dreg:$0x0] =	wrdreg $0xFFFFFFFF;
	(pc) =	sbr.abs _section_cstart, $3  }
0xc0: {  	[dreg:$0x1] =	wrdreg $0xFFFFFFFF  }
0xc1: {  	_ =	task.clear_ibuf [dreg:s6], $0x2FFFF;
	_ =	strace $0x9FFFFFFF  }
0xc2: {  	(tm) =	ssettm $0x7FFFFFFF  }
0xc3: {  	_ =	shalt  }
tec
execute0_lowered:
.L_overlay_start_1:
0x0: {  	(tag) =	ssettag $0x1  }
0x1: {  	s5 =	rddreg [dreg:$0x0]  }
0x2: {  	s1 =	rddreg [dreg:$0x1];
	s2 =	srdreg.scid  }
0x3: {  	s0 =	rddreg [dreg:$0x2];
	s3 =	simm.s32 $0x0;
	s21 =	simm.s32 $0x50  }
0x4: {  	s22 =	simm.s32 $0x4E20;
	s23 =	simm.s32 $0x1;
	s24 =	simm.s32 $0x0  }
0x5: {  	s7 =	sand.u32 $0x1, s2;
	s2 =	stileid.u32;
	[smem:$0x7FF] =	sst s3  }
0x6: {  	s16 =	sadd.s32 $0x78A00, s5;
	s4 =	sshll.u32 s7, $0x4;
	s10 =	smul.u32 $0xA000, s2  }
0x7: {  	s8 =	ssub.s32 $0x2, s7;
	s15 =	smul.u32 $0xA0000, s7;
	s4 =	sor.u32 s2, s4  }
0x8: {  	_ =	strace $0x8000004A;
	s29 =	sshrl.u32 s8, $0x1;
	s6 =	smul.u32 $0x4E2, s4  }
0x9: {  	s4 =	sadd.s32 $0x65000, s5;
	s17 =	ssub.s32 s8, s29;
	s12 =	sadd.s32 $0x2000, s10  }
0xa: {  	s14 =	sadd.s32 $0x4000, s10;
	s18 =	sadd.s32 $0x6000, s10;
	s19 =	sadd.s32 $0x8000, s10  }
0xb: {  	s13 =	sadd.s32 s10, s15;
	s7 =	sadd.s32 s14, s1;
	s8 =	sadd.s32 s18, s1  }
0xc: {  	s9 =	sadd.s32 s19, s1;
	s13 =	sshrl.u32 s13, $0x3;
	s20 =	sadd.s32 s15, s12  }
0xd: {  	s14 =	sadd.s32 s15, s14;
	s18 =	sadd.s32 s15, s18;
	s19 =	sadd.s32 s15, s19  }
0xe: {  	s17 =	smax.u32 s17, $0x1;
	s11 =	sadd.s32 s6, s5;
	s5 =	sadd.s32 s10, s1  }
0xf: {  	s6 =	sadd.s32 s12, s1;
	s12 =	sadd.s32 s16, s13;
	s30 =	sshrl.u32 s20, $0x3  }
0x10: {  	s14 =	sshrl.u32 s14, $0x3;
	s18 =	sshrl.u32 s18, $0x3;
	s31 =	sshrl.u32 s19, $0x3  }
0x11: {  	s19 =	simm.s32 $0x2;
	s20 =	simm.s32 $0x2710;
	s10 =	sadd.s32 $0xB200, s11  }
0x12: {  	s11 =	sadd.s32 $0x1400, s11;
	s13 =	sadd.s32 s16, s30;
	s14 =	sadd.s32 s16, s14  }
0x13: {  	v0 =	vimm.f32 $0.0e+00;
	s15 =	sadd.s32 s16, s18;
	s16 =	sadd.s32 s16, s31;
	s18 =	simm.s32 $0x6220  }
.LBB2_1:
0x14: {  	s25 =	sand.u32 $0x7F00, s3  }
0x15: {  	s26 =	sand.u32 $0x30, s3;
	s28 =	sshrl.u32 s25, $0x2  }
0x16: {  	s25 =	simm.s32 $0x40;
	s28 =	sor.u32 s26, s28;
	s26 =	simm.s32 $0x0  }
.LBB2_2:
0x17: {  	p0 =	sne.s32 s25, $0x7FC0  }
0x18: {  	[tilespmem:s28+$0x6220] =	vst v0;
	s26 =	sadd.s32 $0x10, s26;
	s28 =	smov.u32 s25;
	s25 =	sadd.s32 $0x40, s25  }
.Ltmp0:
0x19: {  	(pc) =	sbr.rel @p0 .LBB2_2-.Ltmp0, $4  }
0x1a: {  	_ = 	snop  }
0x1b: {  	s28 =	sand.u32 $0x7F00, s28  }
0x1c: {  	s29 =	sand.u32 $0x30, s26;
	s28 =	sshrl.u32 s28, $0x2  }
0x1d: {  	s28 =	sor.u32 s29, s28  }
0x1e: {  	[tilespmem:s28+$0x6220] =	vst v0  }
0x1f: {  	[spmem:s5] =	stream.linear.scatter [tilespmem:s18], [sflag:$0x2], $0x2000, $0x38;
	[tilespmem:$0x12220] =	vst v63  }
0x20: {  	_ =	swait.ge [sflag:s19], $0x2000  }
0x21: {  	[sflag:s19] =	ssyncset.done $0x0  }
0x22: {  	[sflag:s19] =	ssyncadd.s32 $0xFFFFE000  }
0x23: {  	[spmem:s6] =	stream.linear.scatter [tilespmem:s18], [sflag:$0x2], $0x2000, $0x38;
	[tilespmem:$0x12220] =	vst v63  }
0x24: {  	_ =	swait.ge [sflag:s19], $0x2000  }
0x25: {  	[sflag:s19] =	ssyncset.done $0x0  }
0x26: {  	[sflag:s19] =	ssyncadd.s32 $0xFFFFE000  }
0x27: {  	[spmem:s7] =	stream.linear.scatter [tilespmem:s18], [sflag:$0x2], $0x2000, $0x38;
	[tilespmem:$0x12220] =	vst v63  }
0x28: {  	_ =	swait.ge [sflag:s19], $0x2000  }
0x29: {  	[sflag:s19] =	ssyncset.done $0x0  }
0x2a: {  	[sflag:s19] =	ssyncadd.s32 $0xFFFFE000  }
0x2b: {  	[spmem:s8] =	stream.linear.scatter [tilespmem:s18], [sflag:$0x2], $0x2000, $0x38;
	[tilespmem:$0x12220] =	vst v63  }
0x2c: {  	_ =	swait.ge [sflag:s19], $0x2000  }
0x2d: {  	[sflag:s19] =	ssyncset.done $0x0  }
0x2e: {  	[sflag:s19] =	ssyncadd.s32 $0xFFFFE000  }
0x2f: {  	[spmem:s9] =	stream.linear.scatter [tilespmem:s18], [sflag:$0x2], $0x2000, $0x38;
	[tilespmem:$0x12220] =	vst v63  }
0x30: {  	_ =	swait.ge [sflag:s19], $0x2000  }
0x31: {  	[sflag:s19] =	ssyncset.done $0x0  }
0x32: {  	[sflag:s19] =	ssyncadd.s32 $0xFFFFE000  }
0x33: {  	s25 =	simm.s32 $0x0;
	[bflag:$0x0] =	sbarrier.arrive $0xFFFF  }
0x34: {  	[tilespmem:s25], [sflag:$0x2] =	stream.linear.gather [hbm4b:s10+s25], $0x2710, $0x38;
	[tilespmem:$0x12220] =	vst v63  }
0x35: {  	_ =	swait.ge [sflag:s19], $0x2710  }
0x36: {  	[sflag:s19] =	ssyncset.done $0x0  }
0x37: {  	[sflag:s19] =	ssyncadd.s32 $0xFFFFD8F0  }
0x38: {  	[tilespmem:s20], [sflag:$0x2] =	stream.linear.gather [hbm4b:s11+s25], $0x2710, $0x38;
	[tilespmem:$0x12220] =	vst v63  }
0x39: {  	_ =	swait.ge [sflag:s19], $0x2710  }
0x3a: {  	[sflag:s19] =	ssyncset.done $0x0  }
0x3b: {  	s30 =	simm.s32 $0x0;
	[sflag:s19] =	ssyncadd.s32 $0xFFFFD8F0  }
0x3c: {  	[tilespmem:s22], [sflag:$0x1] =	stream.indirect.gather [hbm4b:s4+s21], $0x40, s30, s21, $0xb8;
	[tilespmem:$0x12220] =	vst v63  }
0x3d: {  	_ =	swait.ge [sflag:s23], $0x1400  }
0x3e: {  	[sflag:s23] =	ssyncset.done $0x0  }
0x3f: {  	s31 =	simm.s32 $0x2710;
	[sflag:s23] =	ssyncadd.s32 $0xFFFFEC00  }
0x40: {  	[spmem:s1] =	stream.indirect.scatter.add.f32 [tilespmem:s22], [sflag:$0x2], $0x40, s31, s21, $0xb8;
	[tilespmem:$0x12220] =	vst v63  }
0x41: {  	_ =	swait.ge [sflag:s19], $0x1400  }
0x42: {  	s26 =	simm.s32 $0x280;
	s25 =	simm.s32 $0x140;
	[sflag:s19] =	ssyncset.done $0x0  }
.LBB2_4:
0x43: {  	s28 =	sshra.s32 s25, $0x2  }
0x44: {  	[sflag:s19] =	ssyncadd.s32 $0xFFFFEC00;
	s25 =	smov.u32 s26;
	s29 =	sadd.s32 $0x140, s26  }
0x45: {  	[tilespmem:s22], [sflag:$0x1] =	stream.indirect.gather [hbm4b:s4+s21], $0x40, s28, s21, $0xb8;
	[tilespmem:$0x12220] =	vst v63  }
0x46: {  	p0 =	sne.s32 s26, $0x9B00;
	_ =	swait.ge [sflag:s23], $0x1400  }
.Ltmp1:
0x47: {  	[sflag:s23] =	ssyncset.done $0x0;
	(pc) =	sbr.rel @p0 .LBB2_4-.Ltmp1, $4  }
0x48: {  	s26 =	sadd.s32 $0x2710, s28;
	[sflag:s23] =	ssyncadd.s32 $0xFFFFEC00  }
0x49: {  	[spmem:s1] =	stream.indirect.scatter.add.f32 [tilespmem:s22], [sflag:$0x2], $0x40, s26, s21, $0xb8;
	[tilespmem:$0x12220] =	vst v63  }
0x4a: {  	_ =	swait.ge [sflag:s19], $0x1400  }
0x4b: {  	s26 =	smov.u32 s29;
	[sflag:s19] =	ssyncset.done $0x0  }
0x4c: {  	s25 =	sshra.s32 s25, $0x2;
	[sflag:s19] =	ssyncadd.s32 $0xFFFFEC00  }
0x4d: {  	[tilespmem:s22], [sflag:$0x1] =	stream.indirect.gather [hbm4b:s4+s21], $0x40, s25, s21, $0xb8;
	[tilespmem:$0x12220] =	vst v63  }
0x4e: {  	_ =	swait.ge [sflag:s23], $0x1400  }
0x4f: {  	[sflag:s23] =	ssyncset.done $0x0  }
0x50: {  	s25 =	sadd.s32 $0x2710, s25;
	[sflag:s23] =	ssyncadd.s32 $0xFFFFEC00  }
0x51: {  	[spmem:s1] =	stream.indirect.scatter.add.f32 [tilespmem:s22], [sflag:$0x2], $0x40, s25, s21, $0xb8;
	[tilespmem:$0x12220] =	vst v63  }
0x52: {  	_ =	swait.ge [sflag:s19], $0x1400  }
0x53: {  	[sflag:s19] =	ssyncset.done $0x0  }
0x54: {  	[sflag:s19] =	ssyncadd.s32 $0xFFFFEC00  }
0x55: {  	[bflag:$0x0] =	sbarrier.arrive $0xFFFF  }
0x56: {  	[tilespmem:s18], [sflag:$0x2] =	stream.linear.gather [spmem:s5], $0x2000, $0x38;
	[tilespmem:$0x12220] =	vst v63  }
0x57: {  	_ =	swait.ge [sflag:s19], $0x2000  }
0x58: {  	[sflag:s19] =	ssyncset.done $0x0  }
0x59: {  	[sflag:s19] =	ssyncadd.s32 $0xFFFFE000  }
0x5a: {  	[hbm4b:s12+s3] =	stream.linear.scatter [tilespmem:s18], [sflag:$0x2], $0x2000, $0x38;
	[tilespmem:$0x12220] =	vst v63  }
0x5b: {  	_ =	swait.ge [sflag:s19], $0x2000  }
0x5c: {  	[sflag:s19] =	ssyncset.done $0x0  }
0x5d: {  	[sflag:s19] =	ssyncadd.s32 $0xFFFFE000  }
0x5e: {  	[tilespmem:s18], [sflag:$0x2] =	stream.linear.gather [spmem:s6], $0x2000, $0x38;
	[tilespmem:$0x12220] =	vst v63  }
0x5f: {  	_ =	swait.ge [sflag:s19], $0x2000  }
0x60: {  	[sflag:s19] =	ssyncset.done $0x0  }
0x61: {  	[sflag:s19] =	ssyncadd.s32 $0xFFFFE000  }
0x62: {  	[hbm4b:s13+s3] =	stream.linear.scatter [tilespmem:s18], [sflag:$0x2], $0x2000, $0x38;
	[tilespmem:$0x12220] =	vst v63  }
0x63: {  	_ =	swait.ge [sflag:s19], $0x2000  }
0x64: {  	[sflag:s19] =	ssyncset.done $0x0  }
0x65: {  	[sflag:s19] =	ssyncadd.s32 $0xFFFFE000  }
0x66: {  	[tilespmem:s18], [sflag:$0x2] =	stream.linear.gather [spmem:s7], $0x2000, $0x38;
	[tilespmem:$0x12220] =	vst v63  }
0x67: {  	_ =	swait.ge [sflag:s19], $0x2000  }
0x68: {  	[sflag:s19] =	ssyncset.done $0x0  }
0x69: {  	[sflag:s19] =	ssyncadd.s32 $0xFFFFE000  }
0x6a: {  	[hbm4b:s14+s3] =	stream.linear.scatter [tilespmem:s18], [sflag:$0x2], $0x2000, $0x38;
	[tilespmem:$0x12220] =	vst v63  }
0x6b: {  	_ =	swait.ge [sflag:s19], $0x2000  }
0x6c: {  	[sflag:s19] =	ssyncset.done $0x0  }
0x6d: {  	[sflag:s19] =	ssyncadd.s32 $0xFFFFE000  }
0x6e: {  	[tilespmem:s18], [sflag:$0x2] =	stream.linear.gather [spmem:s8], $0x2000, $0x38;
	[tilespmem:$0x12220] =	vst v63  }
0x6f: {  	_ =	swait.ge [sflag:s19], $0x2000  }
0x70: {  	[sflag:s19] =	ssyncset.done $0x0  }
0x71: {  	[sflag:s19] =	ssyncadd.s32 $0xFFFFE000  }
0x72: {  	[hbm4b:s15+s3] =	stream.linear.scatter [tilespmem:s18], [sflag:$0x2], $0x2000, $0x38;
	[tilespmem:$0x12220] =	vst v63  }
0x73: {  	_ =	swait.ge [sflag:s19], $0x2000  }
0x74: {  	[sflag:s19] =	ssyncset.done $0x0  }
0x75: {  	[sflag:s19] =	ssyncadd.s32 $0xFFFFE000  }
0x76: {  	[tilespmem:s18], [sflag:$0x2] =	stream.linear.gather [spmem:s9], $0x2000, $0x38;
	[tilespmem:$0x12220] =	vst v63  }
0x77: {  	s24 =	sadd.s32 $0x1, s24;
	_ =	swait.ge [sflag:s19], $0x2000  }
0x78: {  	p0 =	sne.s32 s24, s17;
	[sflag:s19] =	ssyncset.done $0x0  }
.Ltmp2:
0x79: {  	[sflag:s19] =	ssyncadd.s32 $0xFFFFE000;
	(pc) =	sbr.rel @p0 .LBB2_1-.Ltmp2, $4  }
0x7a: {  	[hbm4b:s16+s3] =	stream.linear.scatter [tilespmem:s18], [sflag:$0x2], $0x2000, $0x38;
	[tilespmem:$0x12220] =	vst v63  }
0x7b: {  	_ =	swait.ge [sflag:s19], $0x2000  }
0x7c: {  	[sflag:s19] =	ssyncset.done $0x0  }
0x7d: {  	[sflag:s19] =	ssyncadd.s32 $0xFFFFE000  }
0x7e: {  	_ =	sfence.sel $0x180000  }
0x7f: {  	[bflag:$0x0] =	sbarrier.arrive $0xFFFF  }
0x80: {  	p0 =	sne.s32 s2, $0x0;
	_ =	strace $0x9000004A  }
0x81: {  	s0 =	sadd.s32 @!p0 $0x100000, s0;
	[bflag:$0x2] =	sbarrier.arrive $0xFFFF  }
0x82: {  	[sflag:s0] =	ssyncadd.tile.s32 @!p0 $0x1;
	_ =	shalt  }
.Lfunc_end2:
_tile_overlayer_lowered:
.L_overlay_start_2:
0x83: {  	(tag) =	ssettag $0x2  }
0x84: {  	s0 =	rddreg [dreg:$0x0];
	s2 =	stileid.u32  }
0x85: {  	s1 =	rddreg [dreg:$0x1];
	p0 =	sne.s32 s2, $0x0  }
0x86: {  	s3 =	rddreg [dreg:$0x2];
	[bflag:$0x3] =	sbarrier.arrive $0xFFFF;
	s2 =	simm.s32 @!p0 $0x1C02  }
0x87: {  	[timem:s3], [sflag:s2] =	dma.local @!p0 [hbm:s0], s1  }
0x88: {  	s0 =	simm.s32 @!p0 $0x2  }
0x89: {  	_ =	swait.ge @!p0 [sflag:s0], s1  }
0x8a: {  	s1 =	ssub.s32 @!p0 $0x0, s1;
	[sflag:s0] =	ssyncset.done @!p0 $0x0  }
0x8b: {  	[sflag:s0] =	ssyncadd.s32 @!p0 s1  }
0x8c: {  	[bflag:$0x3] =	sbarrier.arrive $0xFFFF  }
0x8d: {  	_ =	shalt  }

// kernel: kernel.7.cloned.1.call-start
scs
__scs_entry_jumppad:
0x0: {  	(pc) =	sbr.rel $0x88, $3  }
0x1: {  	(tag) =	ssettag $0x0;
	lr =	simm.s32 $0x1  }
0x2: {  	[smem:$0x3F99] =	sst lr;
	_ =	strace $0xD0000000  }
0x3: {  	_ = 	snop  }
0x4: {  	_ = 	snop  }
0x5: {  	_ = 	snop  }
0x6: {  	_ = 	snop  }
0x7: {  	_ = 	snop  }
__scs_overlays_trampoline_lowered:
0x8: {  	[smem:$0x3FA8] =	sst s0  }
0x9: {  	[smem:$0x3FA9] =	sst s1  }
0xa: {  	[smem:$0x3FAA] =	sst s2  }
0xb: {  	[smem:$0x3FAB] =	sst s3  }
0xc: {  	[smem:$0x3FAC] =	sst s4  }
0xd: {  	[smem:$0x3FAD] =	sst s5  }
0xe: {  	[smem:$0x3FAE] =	sst s6  }
0xf: {  	[smem:$0x3FAF] =	sst s7  }
0x10: {  	[smem:$0x3FB0] =	sst s8  }
0x11: {  	[smem:$0x3FB1] =	sst s9;
	s0 =	simm.s32 @!p0 $0x0  }
0x12: {  	s1 =	sld [smem:$0x3F97];
	s0 =	simm.s32 @p0 $0x1  }
0x13: {  	[smem:$0x3FB2] =	sst s0;
	s0 =	simm.s32 @!p1 $0x0  }
0x14: {  	s2 =	sld [smem:$0x3F96];
	s0 =	simm.s32 @p1 $0x1  }
0x15: {  	[smem:$0x3FB3] =	sst s0;
	s0 =	simm.s32 @!p2 $0x0  }
0x16: {  	s3 =	sld [smem:$0x3FDB];
	s0 =	simm.s32 @p2 $0x1  }
0x17: {  	s4 =	simm.s32 $0x1BF5;
	[smem:$0x3FB5] =	sst s0  }
0x18: {  	s0 =	sld [smem:$0x3F98];
	_ =	swait.ge [sflag:s4], $0x0  }
0x19: {  	s7 =	sld [smem:$0x3F99]  }
0x1a: {  	s8 =	sadd.s32 $0xFFFFE003, lr  }
0x1b: {  	s9 =	sadd.s32 $0xFFFFFEF7, lr;
	s5 =	simm.s32 $0xFFFFFFFF;
	p2 =	slt.u32 s8, $0xFFFFF086  }
0x1c: {  	p1 =	slt.u32 s9, $0xF7A;
	s5 =	simm.s32 @!p2 $0x0  }
0x1d: {  	s5 =	simm.s32 @p1 $0x1;
	p0 =	seq.s32 s7, s2  }
0x1e: {  	s7 =	smul.u32 @!p0 $0xF7A, s2;
	p2 =	seq.s32 @!p0 s5, $0x0  }
0x1f: {  	s9 =	smul.u32 $0xF7A, s1;
	s8 =	simm.s32 @!p0 $0x1BF5;
	p2 =	por !p2, p0  }
0x20: {  	[sflag:s8] =	ssyncset.s32 @!p0 $0xFFFFF086;
	s6 =	sadd.s32 @!p0 s3, s7;
	s7 =	simm.s32 @!p0 $0x108  }
0x21: {  	s3 =	sadd.s32 s3, s9;
	s6 =	sadd.s32 @!p0 $0x88, s6;
	s7 =	simm.s32 @p2 $0x1082  }
0x22: {  	[simem:s7], [sflag:s8] =	dma.local @!p0 [hbm:s6], $0xF7A  }
0x23: {  	s9 =	sor.u32 $0xD0000000, s2;
	s6 =	simm.s32 $0x108;
	_ =	swait.ge @!p0 [sflag:s8], $0x0  }
0x24: {  	s3 =	sadd.s32 $0x88, s3;
	s6 =	simm.s32 @!p1 $0x1082;
	[sflag:s4] =	ssyncset.s32 $0xFFFFF086  }
0x25: {  	[simem:s6], [sflag:s4] =	dma.local [hbm:s3], $0xF7A  }
0x26: {  	[smem:$0x3F99] =	sst s1;
	(tag) =	ssettag s2;
	_ =	strace s9  }
0x27: {  	s1 =	sld [smem:$0x3FA9]  }
0x28: {  	s2 =	sld [smem:$0x3FAA]  }
0x29: {  	s4 =	sld [smem:$0x3FAC]  }
0x2a: {  	p0 =	seq.s32 s5, $0x0;
	s5 =	sld [smem:$0x3FAD]  }
0x2b: {  	s6 =	sld [smem:$0x3FAE]  }
0x2c: {  	s7 =	sld [smem:$0x3FAF]  }
0x2d: {  	s3 =	simm.s32 $0x108;
	s8 =	sld [smem:$0x3FB0]  }
0x2e: {  	s3 =	simm.s32 @!p0 $0x1082;
	s9 =	sld [smem:$0x3FB1]  }
0x2f: {  	lr =	sadd.s32 s0, s3;
	s0 =	sld [smem:$0x3FA8]  }
0x30: {  	s3 =	sld [smem:$0x3FAB]  }
0x31: {  	[smem:$0x3FB4] =	sst s10  }
0x32: {  	s10 =	sld [smem:$0x3FB2];
	_ =	sdelay $0x3  }
0x33: {  	p0 =	seq.s32 s10, $0x1;
	s10 =	sld [smem:$0x3FB4];
	_ =	sdelay $0x3  }
0x34: {  	[smem:$0x3FB4] =	sst s10  }
0x35: {  	s10 =	sld [smem:$0x3FB3];
	_ =	sdelay $0x3  }
0x36: {  	p1 =	seq.s32 s10, $0x1;
	s10 =	sld [smem:$0x3FB4];
	_ =	sdelay $0x3  }
0x37: {  	[smem:$0x3FB4] =	sst s10  }
0x38: {  	s10 =	sld [smem:$0x3FB5]  }
0x39: {  	_ = 	snop;
	(pc) =	sbr.ind lr, $3  }
0x3a: {  	_ = 	snop  }
0x3b: {  	_ = 	snop  }
0x3c: {  	p2 =	seq.s32 s10, $0x1;
	s10 =	sld [smem:$0x3FB4]  }
0x3d: {  	_ =	shalt  }
0x3e: {  	_ =	shalt  }
0x3f: {  	_ =	shalt  }
0x40: {  	_ =	shalt  }
0x41: {  	_ =	shalt  }
0x42: {  	_ =	shalt  }
0x43: {  	_ =	shalt  }
0x44: {  	_ =	shalt  }
0x45: {  	_ =	shalt  }
0x46: {  	_ =	shalt  }
0x47: {  	_ =	shalt  }
0x48: {  	_ =	shalt  }
0x49: {  	_ =	shalt  }
0x4a: {  	_ =	shalt  }
0x4b: {  	_ =	shalt  }
0x4c: {  	_ =	shalt  }
0x4d: {  	_ =	shalt  }
0x4e: {  	_ =	shalt  }
0x4f: {  	_ =	shalt  }
0x50: {  	_ =	shalt  }
0x51: {  	_ =	shalt  }
0x52: {  	_ =	shalt  }
0x53: {  	_ =	shalt  }
0x54: {  	_ =	shalt  }
0x55: {  	_ =	shalt  }
0x56: {  	_ =	shalt  }
0x57: {  	_ =	shalt  }
0x58: {  	_ =	shalt  }
0x59: {  	_ =	shalt  }
0x5a: {  	_ =	shalt  }
0x5b: {  	_ =	shalt  }
0x5c: {  	_ =	shalt  }
0x5d: {  	_ =	shalt  }
0x5e: {  	_ =	shalt  }
0x5f: {  	_ =	shalt  }
0x60: {  	_ =	shalt  }
0x61: {  	_ =	shalt  }
0x62: {  	_ =	shalt  }
0x63: {  	_ =	shalt  }
0x64: {  	_ =	shalt  }
0x65: {  	_ =	shalt  }
0x66: {  	_ =	shalt  }
0x67: {  	_ =	shalt  }
0x68: {  	_ =	shalt  }
0x69: {  	_ =	shalt  }
0x6a: {  	_ =	shalt  }
0x6b: {  	_ =	shalt  }
0x6c: {  	_ =	shalt  }
0x6d: {  	_ =	shalt  }
0x6e: {  	_ =	shalt  }
0x6f: {  	_ =	shalt  }
0x70: {  	_ =	shalt  }
0x71: {  	_ =	shalt  }
0x72: {  	_ =	shalt  }
0x73: {  	_ =	shalt  }
0x74: {  	_ =	shalt  }
0x75: {  	_ =	shalt  }
0x76: {  	_ =	shalt  }
0x77: {  	_ =	shalt  }
0x78: {  	_ =	shalt  }
0x79: {  	_ =	shalt  }
0x7a: {  	_ =	shalt  }
0x7b: {  	_ =	shalt  }
0x7c: {  	_ =	shalt  }
0x7d: {  	_ =	shalt  }
0x7e: {  	_ =	shalt  }
0x7f: {  	_ =	shalt  }
0x80: {  	_ =	shalt  }
0x81: {  	_ =	shalt  }
0x82: {  	_ =	shalt  }
0x83: {  	_ =	shalt  }
0x84: {  	_ =	shalt  }
0x85: {  	_ =	shalt  }
0x86: {  	_ =	shalt  }
0x87: {  	_ =	shalt  }
.Lfunc_end0:
.L_simem_size_0:
called_computation_lowered:
.L_overlay_start_0:
0x88: {  	s2 =	sld [smem:$0x3FD9]  }
0x89: {  	s3 =	sld [smem:$0x3FFE];
	_ =	sdelay $0x1  }
0x8a: {  	s1 =	srdreg.scid  }
0x8b: {  	s0 =	sand.u32 $0x1, s1  }
0x8c: {  	s17 =	sshll.u32 s0, $0xA;
	s2 =	sadd.s32 s3, s2  }
0x8d: {  	s2 =	sadd.s32 s2, s17  }
0x8e: {  	[smem:$0x3FC0] =	sst s2  }
0x8f: {  	_ = 	snop  }
0x90: {  	s2 =	sld [smem:$0x3FD0];
	(tm) =	ssettm $0x1  }
0x91: {  	s18 =	sld [smem:$0x3FFB];
	_ =	sdelay $0x3  }
0x92: {  	_ =	strace s18  }
0x93: {  	s3 =	sld [smem:$0x3FFC];
	_ =	sdelay $0x3  }
0x94: {  	_ =	strace s3  }
0x95: {  	s3 =	sld [smem:$0x3FFD];
	_ =	sdelay $0x3  }
0x96: {  	_ =	strace s3  }
0x97: {  	_ =	strace $0x8FFFFFFF  }
0x98: {  	s19 =	sld [smem:$0x3FDB];
	_ =	sdelay $0x1  }
0x99: {  	s4 =	simm.s32 $_scs_section_size  }
0x9a: {  	s5 =	simm.s32 $_size__tile_overlayer_lowered;
	s6 =	simm.s32 $_tile_overlayer_lowered  }
0x9b: {  	s22 =	simm.s32 $0x1BFF;
	s21 =	sshll.u32 s6, $0x1;
	s3 =	sadd.s32 s4, s19  }
0x9c: {  	s7 =	simm.s32 $0x0;
	s20 =	sshll.u32 s5, $0x1;
	s5 =	sadd.s32 s21, s3  }
0x9d: {  	[timem:s7], [sflag:s22] =	dma.local [hbm:s5], s20  }
0x9e: {  	_ =	swait.ge [sflag:s22], s20  }
0x9f: {  	s4 =	ssub.s32 $0x0, s20;
	[sflag:s22] =	ssyncset.done $0x0  }
0xa0: {  	[sflag:s22] =	ssyncadd.s32 s4;
	_ =	sdelay $0x1  }
0xa1: {  	s23 =	simm.s32 $0x1B8B  }
0xa2: {  	_ =	swait.ge [sflag:s23], $0x1  }
0xa3: {  	[sflag:s23] =	ssyncset.done $0x0  }
0xa4: {  	s25 =	simm.s32 $0x1B8E;
	s24 =	sld [smem:$0x3FFE];
	[sflag:s23] =	ssyncadd.s32 $0xFFFFFFFF  }
0xa5: {  	s26 =	simm.s32 $execute0_lowered;
	[smem:$0x3FD2] =	sst s25  }
0xa6: {  	s5 =	sshll.u32 s26, $0x1;
	_ =	strace $0x80000046;
	[dreg:$0x1] =	wrdreg $0xFFFFFFFF  }
0xa7: {  	s28 =	simm.s32 $_size_execute0_lowered;
	s3 =	sadd.s32 s3, s5;
	[dreg:$0x0] =	wrdreg $0x0  }
0xa8: {  	s5 =	sshll.u32 s28, $0x1;
	[dreg:$0x2] =	wrdreg s3  }
0xa9: {  	[dreg:$0x3] =	wrdreg s5  }
0xaa: {  	[dreg:$0x4] =	wrdreg $0xC0  }
0xab: {  	_ =	task [dreg:s7], $0x5FFFF  }
0xac: {  	[dreg:$0x1] =	wrdreg $0xFFFFFFFF  }
0xad: {  	[dreg:$0x0] =	wrdreg $0x60  }
0xae: {  	[dreg:$0x2] =	wrdreg s2  }
0xaf: {  	[dreg:$0x3] =	wrdreg s24  }
0xb0: {  	[dreg:$0x4] =	wrdreg $0x8F200  }
0xb1: {  	[dreg:$0x5] =	wrdreg $0x9  }
0xb2: {  	_ =	task.clear_ibuf [dreg:s7], $0x6FFFF;
	_ =	strace $0x90000046  }
0xb3: {  	s29 =	simm.s32 $0x9;
	_ =	strace $0x80000048  }
0xb4: {  	_ =	swait.ge [sflag:s29], $0x1  }
0xb5: {  	[sflag:s29] =	ssyncadd.s32 $0xFFFFFFFF  }
0xb6: {  	_ =	strace $0x90000048  }
0xb7: {  	_ =	sfence  }
0xb8: {  	s30 =	sld [smem:$0x0];
	_ =	sdelay $0x2  }
0xb9: {  	s31 =	sshll.u32 s1, $0xD;
	s1 =	sshrl.u32 s1, $0x2  }
0xba: {  	s3 =	sand.u32 $0x4000, s31;
	s1 =	sadd.s32 s1, s30  }
0xbb: {  	s0 =	sor.u32 s3, s0;
	s1 =	sshll.u32 s1, $0x11  }
0xbc: {  	s0 =	sor.u32 s1, s0  }
0xbd: {  	s0 =	sadd.s32 $0x8F2B, s0  }
0xbe: {  	[sflag:s0] =	ssyncadd.remote.s32 $0x1  }
0xbf: {  	_ =	sfence.sel $0xFFFF  }
0xc0: {  	[dreg:$0x0] =	wrdreg $0xFFFFFFFF;
	(pc) =	sbr.abs _section_cstart, $3  }
0xc1: {  	[dreg:$0x1] =	wrdreg $0xFFFFFFFF  }
0xc2: {  	_ =	task.clear_ibuf [dreg:s7], $0x2FFFF;
	_ =	strace $0x9FFFFFFF  }
0xc3: {  	(tm) =	ssettm $0x7FFFFFFF  }
tec
execute0_lowered:
.L_overlay_start_1:
0x0: {  	(tag) =	ssettag $0x1  }
0x1: {  	s0 =	rddreg [dreg:$0x0]  }
0x2: {  	s1 =	srdreg.scid;
	s5 =	rddreg [dreg:$0x1]  }
0x3: {  	s3 =	rddreg [dreg:$0x2];
	s2 =	stileid.u32  }
0x4: {  	s4 =	simm.s32 $0x0;
	s21 =	simm.s32 $0x50;
	s22 =	simm.s32 $0x4E20  }
0x5: {  	s23 =	simm.s32 $0x1;
	s24 =	simm.s32 $0x0;
	s7 =	sand.u32 $0x1, s1  }
0x6: {  	[smem:$0x7FF] =	sst s4;
	s10 =	smul.u32 $0xC800, s2;
	s16 =	sadd.s32 $0x15000, s5  }
0x7: {  	s6 =	sshll.u32 s7, $0x4;
	_ =	strace $0x80000047;
	s8 =	ssub.s32 $0x2, s7  }
0x8: {  	s15 =	smul.u32 $0xC8000, s7;
	s6 =	sor.u32 s2, s6;
	s29 =	sshrl.u32 s8, $0x1  }
0x9: {  	s12 =	sadd.s32 $0x2800, s10;
	s14 =	sadd.s32 $0x5000, s10;
	s18 =	sadd.s32 $0x7800, s10  }
0xa: {  	s19 =	sadd.s32 $0xA000, s10;
	s6 =	smul.u32 $0x4E2, s6;
	s17 =	ssub.s32 s8, s29  }
0xb: {  	s7 =	sadd.s32 s14, s3;
	s8 =	sadd.s32 s18, s3;
	s9 =	sadd.s32 s19, s3  }
0xc: {  	s13 =	sadd.s32 s10, s15;
	s20 =	sadd.s32 s15, s12;
	s14 =	sadd.s32 s15, s14  }
0xd: {  	s18 =	sadd.s32 s15, s18;
	s19 =	sadd.s32 s15, s19;
	s13 =	sshrl.u32 s13, $0x3  }
0xe: {  	s30 =	sshrl.u32 s20, $0x3;
	s14 =	sshrl.u32 s14, $0x3;
	s18 =	sshrl.u32 s18, $0x3  }
0xf: {  	s31 =	sshrl.u32 s19, $0x3;
	s17 =	smax.u32 s17, $0x1;
	s19 =	simm.s32 $0x2  }
0x10: {  	s20 =	simm.s32 $0x2710;
	s11 =	sadd.s32 s6, s5;
	s5 =	sadd.s32 s10, s3  }
0x11: {  	s6 =	sadd.s32 s12, s3;
	s12 =	sadd.s32 s16, s13;
	s13 =	sadd.s32 s16, s30  }
0x12: {  	s14 =	sadd.s32 s16, s14;
	s15 =	sadd.s32 s16, s18;
	s16 =	sadd.s32 s16, s31  }
0x13: {  	v0 =	vimm.f32 $0.0e+00;
	s18 =	simm.s32 $0x6720;
	s10 =	sadd.s32 $0xB200, s11;
	s11 =	sadd.s32 $0x1400, s11  }
.LBB2_1:
0x14: {  	s25 =	smul.u32 $0xCCCD, s4;
	_ =	sdelay $0x1  }
0x15: {  	s26 =	sshrl.u32 s25, $0x12  }
0x16: {  	s28 =	simm.s32 $0x0;
	s25 =	simm.s32 $0x1;
	s29 =	smul.u32 $0x5, s26  }
.LBB2_2:
0x17: {  	s30 =	smul.u32 $0xCCCD, s25  }
0x18: {  	s31 =	smov.u32 s25;
	s26 =	smul.u32 $0x140, s26;
	p0 =	sne.s32 s25, $0x27F  }
.Ltmp0:
0x19: {  	s28 =	ssub.s32 s28, s29;
	(pc) =	sbr.rel @p0 .LBB2_2-.Ltmp0, $4  }
0x1a: {  	s25 =	sadd.s32 $0x1, s25;
	s28 =	sand.u32 $0xFFFF, s28  }
0x1b: {  	s29 =	sshrl.u32 s26, $0x2;
	s1 =	sshll.u32 s28, $0x4;
	s28 =	smov.u32 s31  }
0x1c: {  	s26 =	sshrl.u32 s30, $0x12;
	s1 =	sadd.s32 s1, s29  }
0x1d: {  	s29 =	smul.u32 $0x5, s26;
	[tilespmem:s1+$0x6720] =	vst v0  }
0x1e: {  	_ = 	snop  }
0x1f: {  	s25 =	smul.u32 $0x140, s26;
	s1 =	ssub.s32 s28, s29  }
0x20: {  	s1 =	sand.u32 $0xFFFF, s1  }
0x21: {  	s25 =	sshrl.u32 s25, $0x2;
	s1 =	sshll.u32 s1, $0x4  }
0x22: {  	s1 =	sadd.s32 s1, s25  }
0x23: {  	[tilespmem:s1+$0x6720] =	vst v0  }
0x24: {  	[spmem:s5] =	stream.linear.scatter [tilespmem:s18], [sflag:$0x2], $0x2800, $0x38;
	[tilespmem:$0x15720] =	vst v63  }
0x25: {  	_ =	swait.ge [sflag:s19], $0x2800  }
0x26: {  	[sflag:s19] =	ssyncset.done $0x0  }
0x27: {  	[sflag:s19] =	ssyncadd.s32 $0xFFFFD800  }
0x28: {  	[spmem:s6] =	stream.linear.scatter [tilespmem:s18], [sflag:$0x2], $0x2800, $0x38;
	[tilespmem:$0x15720] =	vst v63  }
0x29: {  	_ =	swait.ge [sflag:s19], $0x2800  }
0x2a: {  	[sflag:s19] =	ssyncset.done $0x0  }
0x2b: {  	[sflag:s19] =	ssyncadd.s32 $0xFFFFD800  }
0x2c: {  	[spmem:s7] =	stream.linear.scatter [tilespmem:s18], [sflag:$0x2], $0x2800, $0x38;
	[tilespmem:$0x15720] =	vst v63  }
0x2d: {  	_ =	swait.ge [sflag:s19], $0x2800  }
0x2e: {  	[sflag:s19] =	ssyncset.done $0x0  }
0x2f: {  	[sflag:s19] =	ssyncadd.s32 $0xFFFFD800  }
0x30: {  	[spmem:s8] =	stream.linear.scatter [tilespmem:s18], [sflag:$0x2], $0x2800, $0x38;
	[tilespmem:$0x15720] =	vst v63  }
0x31: {  	_ =	swait.ge [sflag:s19], $0x2800  }
0x32: {  	[sflag:s19] =	ssyncset.done $0x0  }
0x33: {  	[sflag:s19] =	ssyncadd.s32 $0xFFFFD800  }
0x34: {  	[spmem:s9] =	stream.linear.scatter [tilespmem:s18], [sflag:$0x2], $0x2800, $0x38;
	[tilespmem:$0x15720] =	vst v63  }
0x35: {  	_ =	swait.ge [sflag:s19], $0x2800  }
0x36: {  	[sflag:s19] =	ssyncset.done $0x0  }
0x37: {  	[sflag:s19] =	ssyncadd.s32 $0xFFFFD800  }
0x38: {  	s29 =	simm.s32 $0x0;
	[bflag:$0x0] =	sbarrier.arrive $0xFFFF  }
0x39: {  	[tilespmem:s29], [sflag:$0x2] =	stream.linear.gather [hbm4b:s10+s29], $0x2710, $0x38;
	[tilespmem:$0x15720] =	vst v63  }
0x3a: {  	_ =	swait.ge [sflag:s19], $0x2710  }
0x3b: {  	[sflag:s19] =	ssyncset.done $0x0  }
0x3c: {  	[sflag:s19] =	ssyncadd.s32 $0xFFFFD8F0  }
0x3d: {  	[tilespmem:s20], [sflag:$0x2] =	stream.linear.gather [hbm4b:s11+s29], $0x2710, $0x38;
	[tilespmem:$0x15720] =	vst v63  }
0x3e: {  	_ =	swait.ge [sflag:s19], $0x2710  }
0x3f: {  	[sflag:s19] =	ssyncset.done $0x0  }
0x40: {  	s30 =	simm.s32 $0x0;
	[sflag:s19] =	ssyncadd.s32 $0xFFFFD8F0  }
0x41: {  	[tilespmem:s22], [sflag:$0x1] =	stream.indirect.gather [hbm4b:s0+s21], $0x50, s30, s21, $0xb8;
	[tilespmem:$0x15720] =	vst v63  }
0x42: {  	_ =	swait.ge [sflag:s23], $0x1900  }
0x43: {  	[sflag:s23] =	ssyncset.done $0x0  }
0x44: {  	s31 =	simm.s32 $0x2710;
	[sflag:s23] =	ssyncadd.s32 $0xFFFFE700  }
0x45: {  	[spmem:s3] =	stream.indirect.scatter.add.f32 [tilespmem:s22], [sflag:$0x2], $0x50, s31, s21, $0xb8;
	[tilespmem:$0x15720] =	vst v63  }
0x46: {  	_ =	swait.ge [sflag:s19], $0x1900  }
0x47: {  	s26 =	simm.s32 $0x280;
	s25 =	simm.s32 $0x140;
	[sflag:s19] =	ssyncset.done $0x0  }
.LBB2_4:
0x48: {  	s1 =	sshra.s32 s25, $0x2  }
0x49: {  	[sflag:s19] =	ssyncadd.s32 $0xFFFFE700;
	s25 =	smov.u32 s26;
	s28 =	sadd.s32 $0x140, s26  }
0x4a: {  	[tilespmem:s22], [sflag:$0x1] =	stream.indirect.gather [hbm4b:s0+s21], $0x50, s1, s21, $0xb8;
	[tilespmem:$0x15720] =	vst v63  }
0x4b: {  	p0 =	sne.s32 s26, $0x9B00;
	_ =	swait.ge [sflag:s23], $0x1900  }
.Ltmp1:
0x4c: {  	[sflag:s23] =	ssyncset.done $0x0;
	(pc) =	sbr.rel @p0 .LBB2_4-.Ltmp1, $4  }
0x4d: {  	s1 =	sadd.s32 $0x2710, s1;
	[sflag:s23] =	ssyncadd.s32 $0xFFFFE700  }
0x4e: {  	[spmem:s3] =	stream.indirect.scatter.add.f32 [tilespmem:s22], [sflag:$0x2], $0x50, s1, s21, $0xb8;
	[tilespmem:$0x15720] =	vst v63  }
0x4f: {  	_ =	swait.ge [sflag:s19], $0x1900  }
0x50: {  	s26 =	smov.u32 s28;
	[sflag:s19] =	ssyncset.done $0x0  }
0x51: {  	s1 =	sshra.s32 s25, $0x2;
	[sflag:s19] =	ssyncadd.s32 $0xFFFFE700  }
0x52: {  	[tilespmem:s22], [sflag:$0x1] =	stream.indirect.gather [hbm4b:s0+s21], $0x50, s1, s21, $0xb8;
	[tilespmem:$0x15720] =	vst v63  }
0x53: {  	_ =	swait.ge [sflag:s23], $0x1900  }
0x54: {  	[sflag:s23] =	ssyncset.done $0x0  }
0x55: {  	s1 =	sadd.s32 $0x2710, s1;
	[sflag:s23] =	ssyncadd.s32 $0xFFFFE700  }
0x56: {  	[spmem:s3] =	stream.indirect.scatter.add.f32 [tilespmem:s22], [sflag:$0x2], $0x50, s1, s21, $0xb8;
	[tilespmem:$0x15720] =	vst v63  }
0x57: {  	_ =	swait.ge [sflag:s19], $0x1900  }
0x58: {  	[sflag:s19] =	ssyncset.done $0x0  }
0x59: {  	[sflag:s19] =	ssyncadd.s32 $0xFFFFE700  }
0x5a: {  	[bflag:$0x0] =	sbarrier.arrive $0xFFFF  }
0x5b: {  	[tilespmem:s18], [sflag:$0x2] =	stream.linear.gather [spmem:s5], $0x2800, $0x38;
	[tilespmem:$0x15720] =	vst v63  }
0x5c: {  	_ =	swait.ge [sflag:s19], $0x2800  }
0x5d: {  	[sflag:s19] =	ssyncset.done $0x0  }
0x5e: {  	[sflag:s19] =	ssyncadd.s32 $0xFFFFD800  }
0x5f: {  	[hbm4b:s12+s4] =	stream.linear.scatter [tilespmem:s18], [sflag:$0x2], $0x2800, $0x38;
	[tilespmem:$0x15720] =	vst v63  }
0x60: {  	_ =	swait.ge [sflag:s19], $0x2800  }
0x61: {  	[sflag:s19] =	ssyncset.done $0x0  }
0x62: {  	[sflag:s19] =	ssyncadd.s32 $0xFFFFD800  }
0x63: {  	[tilespmem:s18], [sflag:$0x2] =	stream.linear.gather [spmem:s6], $0x2800, $0x38;
	[tilespmem:$0x15720] =	vst v63  }
0x64: {  	_ =	swait.ge [sflag:s19], $0x2800  }
0x65: {  	[sflag:s19] =	ssyncset.done $0x0  }
0x66: {  	[sflag:s19] =	ssyncadd.s32 $0xFFFFD800  }
0x67: {  	[hbm4b:s13+s4] =	stream.linear.scatter [tilespmem:s18], [sflag:$0x2], $0x2800, $0x38;
	[tilespmem:$0x15720] =	vst v63  }
0x68: {  	_ =	swait.ge [sflag:s19], $0x2800  }
0x69: {  	[sflag:s19] =	ssyncset.done $0x0  }
0x6a: {  	[sflag:s19] =	ssyncadd.s32 $0xFFFFD800  }
0x6b: {  	[tilespmem:s18], [sflag:$0x2] =	stream.linear.gather [spmem:s7], $0x2800, $0x38;
	[tilespmem:$0x15720] =	vst v63  }
0x6c: {  	_ =	swait.ge [sflag:s19], $0x2800  }
0x6d: {  	[sflag:s19] =	ssyncset.done $0x0  }
0x6e: {  	[sflag:s19] =	ssyncadd.s32 $0xFFFFD800  }
0x6f: {  	[hbm4b:s14+s4] =	stream.linear.scatter [tilespmem:s18], [sflag:$0x2], $0x2800, $0x38;
	[tilespmem:$0x15720] =	vst v63  }
0x70: {  	_ =	swait.ge [sflag:s19], $0x2800  }
0x71: {  	[sflag:s19] =	ssyncset.done $0x0  }
0x72: {  	[sflag:s19] =	ssyncadd.s32 $0xFFFFD800  }
0x73: {  	[tilespmem:s18], [sflag:$0x2] =	stream.linear.gather [spmem:s8], $0x2800, $0x38;
	[tilespmem:$0x15720] =	vst v63  }
0x74: {  	_ =	swait.ge [sflag:s19], $0x2800  }
0x75: {  	[sflag:s19] =	ssyncset.done $0x0  }
0x76: {  	[sflag:s19] =	ssyncadd.s32 $0xFFFFD800  }
0x77: {  	[hbm4b:s15+s4] =	stream.linear.scatter [tilespmem:s18], [sflag:$0x2], $0x2800, $0x38;
	[tilespmem:$0x15720] =	vst v63  }
0x78: {  	_ =	swait.ge [sflag:s19], $0x2800  }
0x79: {  	[sflag:s19] =	ssyncset.done $0x0  }
0x7a: {  	[sflag:s19] =	ssyncadd.s32 $0xFFFFD800  }
0x7b: {  	[tilespmem:s18], [sflag:$0x2] =	stream.linear.gather [spmem:s9], $0x2800, $0x38;
	[tilespmem:$0x15720] =	vst v63  }
0x7c: {  	s24 =	sadd.s32 $0x1, s24;
	_ =	swait.ge [sflag:s19], $0x2800  }
0x7d: {  	p0 =	sne.s32 s24, s17;
	[sflag:s19] =	ssyncset.done $0x0  }
.Ltmp2:
0x7e: {  	[sflag:s19] =	ssyncadd.s32 $0xFFFFD800;
	(pc) =	sbr.rel @p0 .LBB2_1-.Ltmp2, $4  }
0x7f: {  	[hbm4b:s16+s4] =	stream.linear.scatter [tilespmem:s18], [sflag:$0x2], $0x2800, $0x38;
	[tilespmem:$0x15720] =	vst v63  }
0x80: {  	_ =	swait.ge [sflag:s19], $0x2800  }
0x81: {  	[sflag:s19] =	ssyncset.done $0x0  }
0x82: {  	[sflag:s19] =	ssyncadd.s32 $0xFFFFD800  }
0x83: {  	_ =	sfence.sel $0x180000  }
0x84: {  	[bflag:$0x0] =	sbarrier.arrive $0xFFFF  }
0x85: {  	_ =	strace $0x90000047  }
0x86: {  	[bflag:$0x2] =	sbarrier.arrive $0xFFFF  }
0x87: {  	p0 =	sne.s32 s2, $0x0;
	s0 =	rddreg [dreg:$0x3]  }
0x88: {  	s0 =	sadd.s32 @!p0 $0x100000, s0  }
0x89: {  	[sflag:s0] =	ssyncadd.tile.s32 @!p0 $0x1;
	_ =	shalt  }
.Lfunc_end2:
_tile_overlayer_lowered:
.L_overlay_start_2:
0x8a: {  	(tag) =	ssettag $0x2  }
0x8b: {  	s0 =	rddreg [dreg:$0x0];
	s2 =	stileid.u32  }
0x8c: {  	s1 =	rddreg [dreg:$0x1];
	p0 =	sne.s32 s2, $0x0  }
0x8d: {  	s3 =	rddreg [dreg:$0x2];
	[bflag:$0x3] =	sbarrier.arrive $0xFFFF;
	s2 =	simm.s32 @!p0 $0x1C02  }
0x8e: {  	[timem:s3], [sflag:s2] =	dma.local @!p0 [hbm:s0], s1  }
0x8f: {  	s0 =	simm.s32 @!p0 $0x2  }
0x90: {  	_ =	swait.ge @!p0 [sflag:s0], s1  }
0x91: {  	s1 =	ssub.s32 @!p0 $0x0, s1;
	[sflag:s0] =	ssyncset.done @!p0 $0x0  }
0x92: {  	[sflag:s0] =	ssyncadd.s32 @!p0 s1  }
0x93: {  	[bflag:$0x3] =	sbarrier.arrive $0xFFFF  }
0x94: {  	_ =	shalt  }

</sc_bundles>
